<compile_context>
chip_gen: v7x
topology: tpu7x:2x2x1
jax: 0.10.2.dev20260603
libtpu: 0.0.44.dev20260713+nightly
codegen_flags: <defaults>
</compile_context>

<pallas_src>
import functools

import jax
import jax.numpy as jnp
from jax import lax
from jax.experimental import pallas as pl
from jax.experimental.pallas import tpu as pltpu
from jax.experimental.pallas import tpu_sc as plsc

T, D, F, E, TOP_K = 2048, 1024, 512, 8, 2
TILE = 512
NT = T * TOP_K // TILE + E
P = NT * TILE
NC, NS = 2, 16
NW = NC * NS
CHUNK = T // NW


def _first_max_onehot(p):
    m = jnp.max(p, axis=-1, keepdims=True)
    eq = p == m
    lane = lax.broadcasted_iota(jnp.int32, p.shape, 1)
    key = jnp.where(eq, lane, E)
    first = jnp.min(key, axis=-1, keepdims=True)
    return lane == first


D2 = D // 2
MASK_HI = -65536


def _pack_halves(lo_f32, hi_f32):
    bl = jax.lax.bitcast_convert_type(
        lo_f32.astype(jnp.bfloat16).astype(jnp.float32), jnp.int32)
    bh = jax.lax.bitcast_convert_type(
        hi_f32.astype(jnp.bfloat16).astype(jnp.float32), jnp.int32)
    return jax.lax.shift_right_logical(bl, 16) | (bh & MASK_HI)


def _unpack_halves(packed_i32):
    lo = jax.lax.bitcast_convert_type(
        jax.lax.shift_left(packed_i32, 16), jnp.float32)
    hi = jax.lax.bitcast_convert_type(packed_i32 & MASK_HI, jnp.float32)
    return lo, hi


def _router_kernel(x_ref, gate_ref, posk_ref, wk_ref, tinfo_ref, xp_ref,
                   rank_scr, selb_scr):
    x = x_ref[...]
    xp_ref[...] = _pack_halves(x[:, :D2], x[:, D2:])
    logits = jnp.dot(x, gate_ref[...], preferred_element_type=jnp.float32)
    probs = jax.nn.softmax(logits, axis=-1)
    oh1 = _first_max_onehot(probs)
    p1 = jnp.max(probs, axis=-1, keepdims=True)
    probs2 = jnp.where(oh1, -jnp.inf, probs)
    oh2 = _first_max_onehot(probs2)
    p2 = jnp.max(probs2, axis=-1, keepdims=True)
    denom = p1 + p2 + 1e-20
    wdense = (jnp.where(oh1, probs, 0.0) + jnp.where(oh2, probs, 0.0)) / denom

    sel = jnp.where(oh1 | oh2, 1.0, 0.0)
    selb_scr[...] = sel.astype(jnp.bfloat16)

    row = lax.broadcasted_iota(jnp.int32, (256, 256), 0)
    col = lax.broadcasted_iota(jnp.int32, (256, 256), 1)
    tri = jnp.where(col < row, 1.0, 0.0).astype(jnp.bfloat16)

    def band(n, csum):
        r0 = n * 256
        sb = selb_scr[pl.ds(r0, 256), :]
        intra = jnp.dot(tri, sb, preferred_element_type=jnp.float32)
        rank_scr[pl.ds(r0, 256), :] = intra + csum
        return csum + jnp.sum(sb.astype(jnp.float32), axis=0, keepdims=True)

    lax.fori_loop(0, T // 256, band, jnp.zeros((1, E), jnp.float32))
    rank = rank_scr[...]

    counts = jnp.sum(sel, axis=0, keepdims=True)
    ptiles = jnp.floor((counts + (TILE - 1)) * (1.0 / TILE))
    strict = jnp.where(
        lax.broadcasted_iota(jnp.int32, (E, E), 0)
        < lax.broadcasted_iota(jnp.int32, (E, E), 1), 1.0, 0.0)
    tstart = jnp.dot(ptiles, strict, preferred_element_type=jnp.float32)
    base = TILE * tstart

    pos_te = base + rank
    pos0 = jnp.sum(jnp.where(oh1, pos_te, 0.0), axis=-1, keepdims=True)
    pos1 = jnp.sum(jnp.where(oh2, pos_te, 0.0), axis=-1, keepdims=True)
    w0 = jnp.sum(jnp.where(oh1, wdense, 0.0), axis=-1, keepdims=True)
    w1 = jnp.sum(jnp.where(oh2, wdense, 0.0), axis=-1, keepdims=True)

    lane_te = lax.broadcasted_iota(jnp.int32, (T, E), 1)
    posk_ref[...] = jnp.where(
        lane_te == 0, pos0, jnp.where(lane_te == 1, pos1, 0.0)).astype(jnp.int32)
    wk_ref[...] = jnp.where(
        lane_te == 0, w0, jnp.where(lane_te == 1, w1, 0.0))

    nf = lax.broadcasted_iota(jnp.int32, (32, E), 0).astype(jnp.float32)
    inr = (nf >= tstart) & (nf < tstart + ptiles)
    lane8 = lax.broadcasted_iota(jnp.int32, (32, E), 1).astype(jnp.float32)
    gid_raw = jnp.sum(jnp.where(inr, lane8, 0.0), axis=-1, keepdims=True)
    validn = jnp.sum(jnp.where(inr, 1.0, 0.0), axis=-1, keepdims=True)
    lane18 = lax.broadcasted_iota(jnp.int32, (1, E), 1).astype(jnp.float32)
    gidlast = jnp.max(jnp.where(ptiles > 0, lane18, 0.0), axis=-1,
                      keepdims=True)
    gidn = jnp.where(validn > 0, gid_raw, gidlast)
    lane_i = lax.broadcasted_iota(jnp.int32, (32, E), 1)
    tinfo_ref[...] = jnp.where(
        lane_i == 0, gidn, jnp.where(lane_i == 1, validn, 0.0)).astype(jnp.int32)


def _router(x, gate_tensor):
    return pl.pallas_call(
        _router_kernel,
        out_shape=(
            jax.ShapeDtypeStruct((T, E), jnp.int32),
            jax.ShapeDtypeStruct((T, E), jnp.float32),
            jax.ShapeDtypeStruct((32, E), jnp.int32),
            jax.ShapeDtypeStruct((T, D2), jnp.int32),
        ),
        scratch_shapes=[pltpu.VMEM((T, E), jnp.float32),
                        pltpu.VMEM((T, E), jnp.bfloat16)],
    )(x, gate_tensor)


def _dispatch(x, pos0, pos1):
    mesh = plsc.VectorSubcoreMesh(core_axis_name="c", subcore_axis_name="s")

    @functools.partial(
        pl.kernel, mesh=mesh,
        out_type=jax.ShapeDtypeStruct((P, D2), jnp.int32),
        scratch_types=[
            pltpu.VMEM((CHUNK,), jnp.int32),
            pltpu.VMEM((CHUNK,), jnp.int32),
            pltpu.VMEM((CHUNK, D2), jnp.int32),
            pltpu.SemaphoreType.DMA,
            pltpu.SemaphoreType.DMA,
        ],
    )
    def k(x_hbm, p0_hbm, p1_hbm, xs_hbm, i0_v, i1_v, rows_v, sem, sem2):
        wid = lax.axis_index("s") * NC + lax.axis_index("c")
        base = wid * CHUNK
        pltpu.sync_copy(p0_hbm.at[wid], i0_v)
        pltpu.sync_copy(p1_hbm.at[wid], i1_v)
        pltpu.sync_copy(x_hbm.at[pl.ds(base, CHUNK)], rows_v)
        c0 = pltpu.async_copy(rows_v, xs_hbm.at[i0_v], sem)
        c1 = pltpu.async_copy(rows_v, xs_hbm.at[i1_v], sem2)
        c0.wait()
        c1.wait()

    return k(x, pos0, pos1)


def _gemm_body(gid_ref, valid_ref, xs_ref, wg_ref, wu_ref, wd_ref, ys_ref):
    n = pl.program_id(0)

    @pl.when(valid_ref[n] == 1)
    def _():
        xl, xh = _unpack_halves(xs_ref[...])
        xb = jnp.concatenate(
            [xl.astype(jnp.bfloat16), xh.astype(jnp.bfloat16)], axis=1)
        wg, wu, wd = wg_ref[0], wu_ref[0], wd_ref[0]
        hg = jnp.dot(xb, wg, preferred_element_type=jnp.float32)
        hu = jnp.dot(xb, wu, preferred_element_type=jnp.float32)
        h = (hg * jax.nn.sigmoid(hg) * hu).astype(jnp.bfloat16)
        y = jnp.dot(h, wd, preferred_element_type=jnp.float32)
        ys_ref[...] = _pack_halves(y[:, :D2], y[:, D2:])


def _gemm(xs, gid, valid, wg, wu, wd):
    grid_spec = pltpu.PrefetchScalarGridSpec(
        num_scalar_prefetch=2,
        grid=(NT,),
        in_specs=[
            pl.BlockSpec((TILE, D2), lambda n, g, v: (n, 0)),
            pl.BlockSpec((1, D, F), lambda n, g, v: (g[n], 0, 0)),
            pl.BlockSpec((1, D, F), lambda n, g, v: (g[n], 0, 0)),
            pl.BlockSpec((1, F, D), lambda n, g, v: (g[n], 0, 0)),
        ],
        out_specs=pl.BlockSpec((TILE, D2), lambda n, g, v: (n, 0)),
    )
    return pl.pallas_call(
        _gemm_body,
        grid_spec=grid_spec,
        out_shape=jax.ShapeDtypeStruct((P, D2), jnp.int32),
    )(gid, valid, xs, wg, wu, wd)


def _gather(ys, pos0, pos1):
    mesh = plsc.VectorSubcoreMesh(core_axis_name="c", subcore_axis_name="s")

    @functools.partial(
        pl.kernel, mesh=mesh,
        out_type=(
            jax.ShapeDtypeStruct((T, D2), jnp.int32),
            jax.ShapeDtypeStruct((T, D2), jnp.int32),
        ),
        scratch_types=[
            pltpu.VMEM((CHUNK,), jnp.int32),
            pltpu.VMEM((CHUNK,), jnp.int32),
            pltpu.VMEM((CHUNK, D2), jnp.int32),
            pltpu.VMEM((CHUNK, D2), jnp.int32),
            pltpu.SemaphoreType.DMA,
            pltpu.SemaphoreType.DMA,
        ],
    )
    def k(ys_hbm, p0_hbm, p1_hbm, g0_hbm, g1_hbm, i0_v, i1_v, r0_v, r1_v,
          sem, sem2):
        wid = lax.axis_index("s") * NC + lax.axis_index("c")
        base = wid * CHUNK
        pltpu.sync_copy(p0_hbm.at[wid], i0_v)
        pltpu.sync_copy(p1_hbm.at[wid], i1_v)
        c0 = pltpu.async_copy(ys_hbm.at[i0_v], r0_v, sem)
        c1 = pltpu.async_copy(ys_hbm.at[i1_v], r1_v, sem2)
        c0.wait()
        c2 = pltpu.async_copy(r0_v, g0_hbm.at[pl.ds(base, CHUNK)], sem)
        c1.wait()
        c3 = pltpu.async_copy(r1_v, g1_hbm.at[pl.ds(base, CHUNK)], sem2)
        c2.wait()
        c3.wait()

    return k(ys, pos0, pos1)


def _combine_body(g0_ref, g1_ref, wk_ref, out_ref):
    wk = wk_ref[...]
    w0, w1 = wk[:, 0:1], wk[:, 1:2]
    g0l, g0h = _unpack_halves(g0_ref[...])
    g1l, g1h = _unpack_halves(g1_ref[...])
    out_ref[...] = jnp.concatenate(
        [w0 * g0l + w1 * g1l, w0 * g0h + w1 * g1h], axis=1)


def _combine(g0, g1, wk):
    return pl.pallas_call(
        _combine_body,
        grid=(T // TILE,),
        in_specs=[
            pl.BlockSpec((TILE, D2), lambda i: (i, 0)),
            pl.BlockSpec((TILE, D2), lambda i: (i, 0)),
            pl.BlockSpec((TILE, E), lambda i: (i, 0)),
        ],
        out_specs=pl.BlockSpec((TILE, D), lambda i: (i, 0)),
        out_shape=jax.ShapeDtypeStruct((T, D), jnp.float32),
    )(g0, g1, wk)


@jax.jit
def kernel(x, gate_tensor, W_gate, W_up, W_down):
    posk, wk, tinfo, xp = _router(x, gate_tensor)
    pos0 = posk[:, 0].reshape(NW, CHUNK)
    pos1 = posk[:, 1].reshape(NW, CHUNK)
    gid = tinfo[:NT, 0]
    valid = tinfo[:NT, 1]
    xs_i = _dispatch(xp, pos0, pos1)
    ys_i = _gemm(xs_i, gid, valid,
                 W_gate.astype(jnp.bfloat16),
                 W_up.astype(jnp.bfloat16),
                 W_down.astype(jnp.bfloat16))
    g0_i, g1_i = _gather(ys_i, pos0, pos1)
    return _combine(g0_i, g1_i, wk)

# --- scband reference (transcript-rebuilt; emitter-appended) ---
"""Pipeline reference for scband-block-sparse-mlp-82635170775195 (READ-ONLY COPY).

The authoritative reference and input builder live on the scoring server;
editing this copy changes nothing except your own understanding.
"""

import jax, jax.numpy as jnp
import numpy as np

T, D, F, E, TOP_K = 2048, 1024, 512, 8, 2

def setup_inputs(seed: int = 0) -> dict:
    key = jax.random.key(seed)
    ks = jax.random.split(key, 5)
    x = jax.random.normal(ks[0], (T, D), dtype=jnp.float32)
    gate_tensor = jax.random.normal(ks[1], (D, E), dtype=jnp.float32) * 0.02
    W_gate = jax.random.normal(ks[2], (E, D, F), dtype=jnp.float32) * 0.02
    W_up = jax.random.normal(ks[3], (E, D, F), dtype=jnp.float32) * 0.02
    W_down = jax.random.normal(ks[4], (E, F, D), dtype=jnp.float32) * 0.02
    return {"x": x, "gate_tensor": gate_tensor, "W_gate": W_gate, "W_up": W_up, "W_down": W_down}

def reference(x, gate_tensor, W_gate, W_up, W_down):
    # router (router_type='std', bsz>1 path): logits -> softmax -> top-k -> renormalize
    router_logits = jnp.matmul(x, gate_tensor)
    probs = jax.nn.softmax(router_logits, axis=-1)
    topk_w, topk_idx = jax.lax.top_k(probs, TOP_K)
    topk_w = topk_w / (jnp.sum(topk_w, axis=-1, keepdims=True) + 1e-20)
    # scatter top-k routing weights into a dense [T, E] combine matrix
    t = x.shape[0]
    dense_w = jnp.zeros((t, E), dtype=x.dtype).at[jnp.arange(t)[:, None], topk_idx].set(topk_w)
    # per-expert gated MLP (SiLU-gated), dense compute then weighted combine;
    # math-identical to top-k dispatch since non-selected experts get weight 0
    h_g = jnp.einsum('td,edf->etf', x, W_gate)
    h_u = jnp.einsum('td,edf->etf', x, W_up)
    h = jax.nn.silu(h_g) * h_u
    expert_out = jnp.einsum('etf,efd->etd', h, W_down)
    out = jnp.einsum('te,etd->td', dense_w, expert_out)
    return out

if __name__ == "__main__":
    import jax
    _d = setup_inputs()
    print(jax.jit(kernel)(*tuple(_d.values())))

</pallas_src>

<mosaic_0001>
#map = affine_map<(d0, d1) -> (0, 0)>
module attributes {stable_mosaic.version = 14 : i64} {
  func.func @k(%arg0: i32, %arg1: i32, %arg2: memref<2048x512xi32, #tpu.memory_space<hbm>>, %arg3: memref<32x64xi32, #tpu.memory_space<hbm>>, %arg4: memref<32x64xi32, #tpu.memory_space<hbm>>, %arg5: memref<8192x512xi32, #tpu.memory_space<hbm>>, %arg6: memref<64xi32, #tpu.memory_space<vmem>>, %arg7: memref<64xi32, #tpu.memory_space<vmem>>, %arg8: memref<64x512xi32, #tpu.memory_space<vmem>>, %arg9: memref<!tpu.dma_semaphore, #tpu.memory_space<semaphore_mem>>, %arg10: memref<!tpu.dma_semaphore, #tpu.memory_space<semaphore_mem>>) attributes {dimension_semantics = [#tpu.dimension_semantics<core_parallel>, #tpu.dimension_semantics<subcore_parallel>], iteration_bounds = array<i64: 2, 16>, scalar_prefetch = 0 : i64, scratch_operands = 5 : i64, tpu.core_type = #tpu.core_type<sc_vector_subcore>, window_params = [{transform_indices = #map}, {transform_indices = #map}, {transform_indices = #map}, {transform_indices = #map}]} {
    %mul3A = arith.constant 2 : i32
    %mul3A_0 = arith.muli %arg1, %mul3A : i32
    %add3A = arith.addi %mul3A_0, %arg0 : i32
    %mul3A_1 = arith.constant 64 : i32
    %mul3A_2 = arith.muli %add3A, %mul3A_1 : i32
    "tpu.region"() ({
      %run_scoped3A = tpu.sem_alloc : memref<!tpu.dma_semaphore, #tpu.memory_space<semaphore_mem>>
      %dma_start3A_13 = arith.constant 0 : i32
      %dma_start3A_14 = tpu.memref_slice %arg3[%add3A, %dma_start3A_13] : memref<32x64xi32, #tpu.memory_space<hbm>> -> memref<1x64xi32, #tpu.memory_space<hbm>>
      %dma_start3A_15 = tpu.memref_squeeze %dma_start3A_14 : memref<1x64xi32, #tpu.memory_space<hbm>> -> memref<64xi32, #tpu.memory_space<hbm>>
      %dma_start3A_16 = arith.constant 0 : i32
      %dma_start3A_17 = tpu.memref_slice %arg3[%add3A, %dma_start3A_16] : memref<32x64xi32, #tpu.memory_space<hbm>> -> memref<1x64xi32, #tpu.memory_space<hbm>>
      %dma_start3A_18 = tpu.memref_squeeze %dma_start3A_17 : memref<1x64xi32, #tpu.memory_space<hbm>> -> memref<64xi32, #tpu.memory_space<hbm>>
      tpu.enqueue_dma source(%dma_start3A_18 : memref<64xi32, #tpu.memory_space<hbm>>) target(%arg6 : memref<64xi32, #tpu.memory_space<vmem>>) target_semaphore(%run_scoped3A : memref<!tpu.dma_semaphore, #tpu.memory_space<semaphore_mem>>)
      %dma_wait3A_19 = arith.constant 0 : i32
      %dma_wait3A_20 = tpu.memref_slice %arg3[%add3A, %dma_wait3A_19] : memref<32x64xi32, #tpu.memory_space<hbm>> -> memref<1x64xi32, #tpu.memory_space<hbm>>
      %dma_wait3A_21 = tpu.memref_squeeze %dma_wait3A_20 : memref<1x64xi32, #tpu.memory_space<hbm>> -> memref<64xi32, #tpu.memory_space<hbm>>
      %dma_wait3A_22 = arith.constant 0 : i32
      %dma_wait3A_23 = tpu.memref_slice %arg3[%add3A, %dma_wait3A_22] : memref<32x64xi32, #tpu.memory_space<hbm>> -> memref<1x64xi32, #tpu.memory_space<hbm>>
      %dma_wait3A_24 = tpu.memref_squeeze %dma_wait3A_23 : memref<1x64xi32, #tpu.memory_space<hbm>> -> memref<64xi32, #tpu.memory_space<hbm>>
      tpu.wait_dma2 semaphore(%run_scoped3A : memref<!tpu.dma_semaphore, #tpu.memory_space<semaphore_mem>>) src(%dma_wait3A_24 : memref<64xi32, #tpu.memory_space<hbm>>) dst(%arg6 : memref<64xi32, #tpu.memory_space<vmem>>)
      tpu.yield
    }) : () -> ()
    "tpu.region"() ({
      %run_scoped3A = tpu.sem_alloc : memref<!tpu.dma_semaphore, #tpu.memory_space<semaphore_mem>>
      %dma_start3A_13 = arith.constant 0 : i32
      %dma_start3A_14 = tpu.memref_slice %arg4[%add3A, %dma_start3A_13] : memref<32x64xi32, #tpu.memory_space<hbm>> -> memref<1x64xi32, #tpu.memory_space<hbm>>
      %dma_start3A_15 = tpu.memref_squeeze %dma_start3A_14 : memref<1x64xi32, #tpu.memory_space<hbm>> -> memref<64xi32, #tpu.memory_space<hbm>>
      %dma_start3A_16 = arith.constant 0 : i32
      %dma_start3A_17 = tpu.memref_slice %arg4[%add3A, %dma_start3A_16] : memref<32x64xi32, #tpu.memory_space<hbm>> -> memref<1x64xi32, #tpu.memory_space<hbm>>
      %dma_start3A_18 = tpu.memref_squeeze %dma_start3A_17 : memref<1x64xi32, #tpu.memory_space<hbm>> -> memref<64xi32, #tpu.memory_space<hbm>>
      tpu.enqueue_dma source(%dma_start3A_18 : memref<64xi32, #tpu.memory_space<hbm>>) target(%arg7 : memref<64xi32, #tpu.memory_space<vmem>>) target_semaphore(%run_scoped3A : memref<!tpu.dma_semaphore, #tpu.memory_space<semaphore_mem>>)
      %dma_wait3A_19 = arith.constant 0 : i32
      %dma_wait3A_20 = tpu.memref_slice %arg4[%add3A, %dma_wait3A_19] : memref<32x64xi32, #tpu.memory_space<hbm>> -> memref<1x64xi32, #tpu.memory_space<hbm>>
      %dma_wait3A_21 = tpu.memref_squeeze %dma_wait3A_20 : memref<1x64xi32, #tpu.memory_space<hbm>> -> memref<64xi32, #tpu.memory_space<hbm>>
      %dma_wait3A_22 = arith.constant 0 : i32
      %dma_wait3A_23 = tpu.memref_slice %arg4[%add3A, %dma_wait3A_22] : memref<32x64xi32, #tpu.memory_space<hbm>> -> memref<1x64xi32, #tpu.memory_space<hbm>>
      %dma_wait3A_24 = tpu.memref_squeeze %dma_wait3A_23 : memref<1x64xi32, #tpu.memory_space<hbm>> -> memref<64xi32, #tpu.memory_space<hbm>>
      tpu.wait_dma2 semaphore(%run_scoped3A : memref<!tpu.dma_semaphore, #tpu.memory_space<semaphore_mem>>) src(%dma_wait3A_24 : memref<64xi32, #tpu.memory_space<hbm>>) dst(%arg7 : memref<64xi32, #tpu.memory_space<vmem>>)
      tpu.yield
    }) : () -> ()
    "tpu.region"() ({
      %run_scoped3A = tpu.sem_alloc : memref<!tpu.dma_semaphore, #tpu.memory_space<semaphore_mem>>
      %dma_start3A_13 = arith.constant 0 : i32
      %dma_start3A_14 = tpu.memref_slice %arg2[%mul3A_2, %dma_start3A_13] : memref<2048x512xi32, #tpu.memory_space<hbm>> -> memref<64x512xi32, #tpu.memory_space<hbm>>
      %dma_start3A_15 = arith.constant 0 : i32
      %dma_start3A_16 = tpu.memref_slice %arg2[%mul3A_2, %dma_start3A_15] : memref<2048x512xi32, #tpu.memory_space<hbm>> -> memref<64x512xi32, #tpu.memory_space<hbm>>
      tpu.enqueue_dma source(%dma_start3A_16 : memref<64x512xi32, #tpu.memory_space<hbm>>) target(%arg8 : memref<64x512xi32, #tpu.memory_space<vmem>>) target_semaphore(%run_scoped3A : memref<!tpu.dma_semaphore, #tpu.memory_space<semaphore_mem>>)
      %dma_wait3A_17 = arith.constant 0 : i32
      %dma_wait3A_18 = tpu.memref_slice %arg2[%mul3A_2, %dma_wait3A_17] : memref<2048x512xi32, #tpu.memory_space<hbm>> -> memref<64x512xi32, #tpu.memory_space<hbm>>
      %dma_wait3A_19 = arith.constant 0 : i32
      %dma_wait3A_20 = tpu.memref_slice %arg2[%mul3A_2, %dma_wait3A_19] : memref<2048x512xi32, #tpu.memory_space<hbm>> -> memref<64x512xi32, #tpu.memory_space<hbm>>
      tpu.wait_dma2 semaphore(%run_scoped3A : memref<!tpu.dma_semaphore, #tpu.memory_space<semaphore_mem>>) src(%dma_wait3A_20 : memref<64x512xi32, #tpu.memory_space<hbm>>) dst(%arg8 : memref<64x512xi32, #tpu.memory_space<vmem>>)
      tpu.yield
    }) : () -> ()
    %dma_start3A = arith.constant 0 : i32
    %dma_start3A_3 = arith.constant 0 : i32
    %dma_start3A_4 = tpu.memref_slice %arg5[%dma_start3A, %dma_start3A_3] : memref<8192x512xi32, #tpu.memory_space<hbm>> -> memref<8192x512xi32, #tpu.memory_space<hbm>>
    tpu.enqueue_indirect_dma source(%arg8 : memref<64x512xi32, #tpu.memory_space<vmem>>) target(%dma_start3A_4 : memref<8192x512xi32, #tpu.memory_space<hbm>>) offsets(%arg6 : memref<64xi32, #tpu.memory_space<vmem>>) semaphore(%arg9 : memref<!tpu.dma_semaphore, #tpu.memory_space<semaphore_mem>>)
    %dma_start3A_5 = arith.constant 0 : i32
    %dma_start3A_6 = arith.constant 0 : i32
    %dma_start3A_7 = tpu.memref_slice %arg5[%dma_start3A_5, %dma_start3A_6] : memref<8192x512xi32, #tpu.memory_space<hbm>> -> memref<8192x512xi32, #tpu.memory_space<hbm>>
    tpu.enqueue_indirect_dma source(%arg8 : memref<64x512xi32, #tpu.memory_space<vmem>>) target(%dma_start3A_7 : memref<8192x512xi32, #tpu.memory_space<hbm>>) offsets(%arg7 : memref<64xi32, #tpu.memory_space<vmem>>) semaphore(%arg10 : memref<!tpu.dma_semaphore, #tpu.memory_space<semaphore_mem>>)
    %dma_wait3A = arith.constant 0 : i32
    %dma_wait3A_8 = arith.constant 0 : i32
    %dma_wait3A_9 = tpu.memref_slice %arg5[%dma_wait3A, %dma_wait3A_8] : memref<8192x512xi32, #tpu.memory_space<hbm>> -> memref<8192x512xi32, #tpu.memory_space<hbm>>
    tpu.wait_indirect_dma semaphore(%arg9 : memref<!tpu.dma_semaphore, #tpu.memory_space<semaphore_mem>>) src(%arg8 : memref<64x512xi32, #tpu.memory_space<vmem>>) dst(%dma_wait3A_9 : memref<8192x512xi32, #tpu.memory_space<hbm>>)
    %dma_wait3A_10 = arith.constant 0 : i32
    %dma_wait3A_11 = arith.constant 0 : i32
    %dma_wait3A_12 = tpu.memref_slice %arg5[%dma_wait3A_10, %dma_wait3A_11] : memref<8192x512xi32, #tpu.memory_space<hbm>> -> memref<8192x512xi32, #tpu.memory_space<hbm>>
    tpu.wait_indirect_dma semaphore(%arg10 : memref<!tpu.dma_semaphore, #tpu.memory_space<semaphore_mem>>) src(%arg8 : memref<64x512xi32, #tpu.memory_space<vmem>>) dst(%dma_wait3A_12 : memref<8192x512xi32, #tpu.memory_space<hbm>>)
    return
  }
}

#map = affine_map<(d0, d1) -> (0, 0)>
module attributes {stable_mosaic.version = 14 : i64} {
  func.func @k(%arg0: i32, %arg1: i32, %arg2: memref<8192x512xi32, #tpu.memory_space<hbm>>, %arg3: memref<32x64xi32, #tpu.memory_space<hbm>>, %arg4: memref<32x64xi32, #tpu.memory_space<hbm>>, %arg5: memref<2048x512xi32, #tpu.memory_space<hbm>>, %arg6: memref<2048x512xi32, #tpu.memory_space<hbm>>, %arg7: memref<64xi32, #tpu.memory_space<vmem>>, %arg8: memref<64xi32, #tpu.memory_space<vmem>>, %arg9: memref<64x512xi32, #tpu.memory_space<vmem>>, %arg10: memref<64x512xi32, #tpu.memory_space<vmem>>, %arg11: memref<!tpu.dma_semaphore, #tpu.memory_space<semaphore_mem>>, %arg12: memref<!tpu.dma_semaphore, #tpu.memory_space<semaphore_mem>>) attributes {dimension_semantics = [#tpu.dimension_semantics<core_parallel>, #tpu.dimension_semantics<subcore_parallel>], iteration_bounds = array<i64: 2, 16>, scalar_prefetch = 0 : i64, scratch_operands = 6 : i64, tpu.core_type = #tpu.core_type<sc_vector_subcore>, window_params = [{transform_indices = #map}, {transform_indices = #map}, {transform_indices = #map}, {transform_indices = #map}, {transform_indices = #map}]} {
    %mul3A = arith.constant 2 : i32
    %mul3A_0 = arith.muli %arg1, %mul3A : i32
    %add3A = arith.addi %mul3A_0, %arg0 : i32
    %mul3A_1 = arith.constant 64 : i32
    %mul3A_2 = arith.muli %add3A, %mul3A_1 : i32
    "tpu.region"() ({
      %run_scoped3A = tpu.sem_alloc : memref<!tpu.dma_semaphore, #tpu.memory_space<semaphore_mem>>
      %dma_start3A_29 = arith.constant 0 : i32
      %dma_start3A_30 = tpu.memref_slice %arg3[%add3A, %dma_start3A_29] : memref<32x64xi32, #tpu.memory_space<hbm>> -> memref<1x64xi32, #tpu.memory_space<hbm>>
      %dma_start3A_31 = tpu.memref_squeeze %dma_start3A_30 : memref<1x64xi32, #tpu.memory_space<hbm>> -> memref<64xi32, #tpu.memory_space<hbm>>
      %dma_start3A_32 = arith.constant 0 : i32
      %dma_start3A_33 = tpu.memref_slice %arg3[%add3A, %dma_start3A_32] : memref<32x64xi32, #tpu.memory_space<hbm>> -> memref<1x64xi32, #tpu.memory_space<hbm>>
      %dma_start3A_34 = tpu.memref_squeeze %dma_start3A_33 : memref<1x64xi32, #tpu.memory_space<hbm>> -> memref<64xi32, #tpu.memory_space<hbm>>
      tpu.enqueue_dma source(%dma_start3A_34 : memref<64xi32, #tpu.memory_space<hbm>>) target(%arg7 : memref<64xi32, #tpu.memory_space<vmem>>) target_semaphore(%run_scoped3A : memref<!tpu.dma_semaphore, #tpu.memory_space<semaphore_mem>>)
      %dma_wait3A_35 = arith.constant 0 : i32
      %dma_wait3A_36 = tpu.memref_slice %arg3[%add3A, %dma_wait3A_35] : memref<32x64xi32, #tpu.memory_space<hbm>> -> memref<1x64xi32, #tpu.memory_space<hbm>>
      %dma_wait3A_37 = tpu.memref_squeeze %dma_wait3A_36 : memref<1x64xi32, #tpu.memory_space<hbm>> -> memref<64xi32, #tpu.memory_space<hbm>>
      %dma_wait3A_38 = arith.constant 0 : i32
      %dma_wait3A_39 = tpu.memref_slice %arg3[%add3A, %dma_wait3A_38] : memref<32x64xi32, #tpu.memory_space<hbm>> -> memref<1x64xi32, #tpu.memory_space<hbm>>
      %dma_wait3A_40 = tpu.memref_squeeze %dma_wait3A_39 : memref<1x64xi32, #tpu.memory_space<hbm>> -> memref<64xi32, #tpu.memory_space<hbm>>
      tpu.wait_dma2 semaphore(%run_scoped3A : memref<!tpu.dma_semaphore, #tpu.memory_space<semaphore_mem>>) src(%dma_wait3A_40 : memref<64xi32, #tpu.memory_space<hbm>>) dst(%arg7 : memref<64xi32, #tpu.memory_space<vmem>>)
      tpu.yield
    }) : () -> ()
    "tpu.region"() ({
      %run_scoped3A = tpu.sem_alloc : memref<!tpu.dma_semaphore, #tpu.memory_space<semaphore_mem>>
      %dma_start3A_29 = arith.constant 0 : i32
      %dma_start3A_30 = tpu.memref_slice %arg4[%add3A, %dma_start3A_29] : memref<32x64xi32, #tpu.memory_space<hbm>> -> memref<1x64xi32, #tpu.memory_space<hbm>>
      %dma_start3A_31 = tpu.memref_squeeze %dma_start3A_30 : memref<1x64xi32, #tpu.memory_space<hbm>> -> memref<64xi32, #tpu.memory_space<hbm>>
      %dma_start3A_32 = arith.constant 0 : i32
      %dma_start3A_33 = tpu.memref_slice %arg4[%add3A, %dma_start3A_32] : memref<32x64xi32, #tpu.memory_space<hbm>> -> memref<1x64xi32, #tpu.memory_space<hbm>>
      %dma_start3A_34 = tpu.memref_squeeze %dma_start3A_33 : memref<1x64xi32, #tpu.memory_space<hbm>> -> memref<64xi32, #tpu.memory_space<hbm>>
      tpu.enqueue_dma source(%dma_start3A_34 : memref<64xi32, #tpu.memory_space<hbm>>) target(%arg8 : memref<64xi32, #tpu.memory_space<vmem>>) target_semaphore(%run_scoped3A : memref<!tpu.dma_semaphore, #tpu.memory_space<semaphore_mem>>)
      %dma_wait3A_35 = arith.constant 0 : i32
      %dma_wait3A_36 = tpu.memref_slice %arg4[%add3A, %dma_wait3A_35] : memref<32x64xi32, #tpu.memory_space<hbm>> -> memref<1x64xi32, #tpu.memory_space<hbm>>
      %dma_wait3A_37 = tpu.memref_squeeze %dma_wait3A_36 : memref<1x64xi32, #tpu.memory_space<hbm>> -> memref<64xi32, #tpu.memory_space<hbm>>
      %dma_wait3A_38 = arith.constant 0 : i32
      %dma_wait3A_39 = tpu.memref_slice %arg4[%add3A, %dma_wait3A_38] : memref<32x64xi32, #tpu.memory_space<hbm>> -> memref<1x64xi32, #tpu.memory_space<hbm>>
      %dma_wait3A_40 = tpu.memref_squeeze %dma_wait3A_39 : memref<1x64xi32, #tpu.memory_space<hbm>> -> memref<64xi32, #tpu.memory_space<hbm>>
      tpu.wait_dma2 semaphore(%run_scoped3A : memref<!tpu.dma_semaphore, #tpu.memory_space<semaphore_mem>>) src(%dma_wait3A_40 : memref<64xi32, #tpu.memory_space<hbm>>) dst(%arg8 : memref<64xi32, #tpu.memory_space<vmem>>)
      tpu.yield
    }) : () -> ()
    %dma_start3A = arith.constant 0 : i32
    %dma_start3A_3 = arith.constant 0 : i32
    %dma_start3A_4 = tpu.memref_slice %arg2[%dma_start3A, %dma_start3A_3] : memref<8192x512xi32, #tpu.memory_space<hbm>> -> memref<8192x512xi32, #tpu.memory_space<hbm>>
    tpu.enqueue_indirect_dma source(%dma_start3A_4 : memref<8192x512xi32, #tpu.memory_space<hbm>>) target(%arg9 : memref<64x512xi32, #tpu.memory_space<vmem>>) offsets(%arg7 : memref<64xi32, #tpu.memory_space<vmem>>) semaphore(%arg11 : memref<!tpu.dma_semaphore, #tpu.memory_space<semaphore_mem>>)
    %dma_start3A_5 = arith.constant 0 : i32
    %dma_start3A_6 = arith.constant 0 : i32
    %dma_start3A_7 = tpu.memref_slice %arg2[%dma_start3A_5, %dma_start3A_6] : memref<8192x512xi32, #tpu.memory_space<hbm>> -> memref<8192x512xi32, #tpu.memory_space<hbm>>
    tpu.enqueue_indirect_dma source(%dma_start3A_7 : memref<8192x512xi32, #tpu.memory_space<hbm>>) target(%arg10 : memref<64x512xi32, #tpu.memory_space<vmem>>) offsets(%arg8 : memref<64xi32, #tpu.memory_space<vmem>>) semaphore(%arg12 : memref<!tpu.dma_semaphore, #tpu.memory_space<semaphore_mem>>)
    %dma_wait3A = arith.constant 0 : i32
    %dma_wait3A_8 = arith.constant 0 : i32
    %dma_wait3A_9 = tpu.memref_slice %arg2[%dma_wait3A, %dma_wait3A_8] : memref<8192x512xi32, #tpu.memory_space<hbm>> -> memref<8192x512xi32, #tpu.memory_space<hbm>>
    tpu.wait_indirect_dma semaphore(%arg11 : memref<!tpu.dma_semaphore, #tpu.memory_space<semaphore_mem>>) src(%dma_wait3A_9 : memref<8192x512xi32, #tpu.memory_space<hbm>>) dst(%arg9 : memref<64x512xi32, #tpu.memory_space<vmem>>)
    %dma_start3A_10 = arith.constant 0 : i32
    %dma_start3A_11 = tpu.memref_slice %arg5[%mul3A_2, %dma_start3A_10] : memref<2048x512xi32, #tpu.memory_space<hbm>> -> memref<64x512xi32, #tpu.memory_space<hbm>>
    %dma_start3A_12 = arith.constant 0 : i32
    %dma_start3A_13 = tpu.memref_slice %arg5[%mul3A_2, %dma_start3A_12] : memref<2048x512xi32, #tpu.memory_space<hbm>> -> memref<64x512xi32, #tpu.memory_space<hbm>>
    tpu.enqueue_dma source(%arg9 : memref<64x512xi32, #tpu.memory_space<vmem>>) target(%dma_start3A_13 : memref<64x512xi32, #tpu.memory_space<hbm>>) target_semaphore(%arg11 : memref<!tpu.dma_semaphore, #tpu.memory_space<semaphore_mem>>)
    %dma_wait3A_14 = arith.constant 0 : i32
    %dma_wait3A_15 = arith.constant 0 : i32
    %dma_wait3A_16 = tpu.memref_slice %arg2[%dma_wait3A_14, %dma_wait3A_15] : memref<8192x512xi32, #tpu.memory_space<hbm>> -> memref<8192x512xi32, #tpu.memory_space<hbm>>
    tpu.wait_indirect_dma semaphore(%arg12 : memref<!tpu.dma_semaphore, #tpu.memory_space<semaphore_mem>>) src(%dma_wait3A_16 : memref<8192x512xi32, #tpu.memory_space<hbm>>) dst(%arg10 : memref<64x512xi32, #tpu.memory_space<vmem>>)
    %dma_start3A_17 = arith.constant 0 : i32
    %dma_start3A_18 = tpu.memref_slice %arg6[%mul3A_2, %dma_start3A_17] : memref<2048x512xi32, #tpu.memory_space<hbm>> -> memref<64x512xi32, #tpu.memory_space<hbm>>
    %dma_start3A_19 = arith.constant 0 : i32
    %dma_start3A_20 = tpu.memref_slice %arg6[%mul3A_2, %dma_start3A_19] : memref<2048x512xi32, #tpu.memory_space<hbm>> -> memref<64x512xi32, #tpu.memory_space<hbm>>
    tpu.enqueue_dma source(%arg10 : memref<64x512xi32, #tpu.memory_space<vmem>>) target(%dma_start3A_20 : memref<64x512xi32, #tpu.memory_space<hbm>>) target_semaphore(%arg12 : memref<!tpu.dma_semaphore, #tpu.memory_space<semaphore_mem>>)
    %dma_wait3A_21 = arith.constant 0 : i32
    %dma_wait3A_22 = tpu.memref_slice %arg5[%mul3A_2, %dma_wait3A_21] : memref<2048x512xi32, #tpu.memory_space<hbm>> -> memref<64x512xi32, #tpu.memory_space<hbm>>
    %dma_wait3A_23 = arith.constant 0 : i32
    %dma_wait3A_24 = tpu.memref_slice %arg5[%mul3A_2, %dma_wait3A_23] : memref<2048x512xi32, #tpu.memory_space<hbm>> -> memref<64x512xi32, #tpu.memory_space<hbm>>
    tpu.wait_dma2 semaphore(%arg11 : memref<!tpu.dma_semaphore, #tpu.memory_space<semaphore_mem>>) src(%arg9 : memref<64x512xi32, #tpu.memory_space<vmem>>) dst(%dma_wait3A_24 : memref<64x512xi32, #tpu.memory_space<hbm>>)
    %dma_wait3A_25 = arith.constant 0 : i32
    %dma_wait3A_26 = tpu.memref_slice %arg6[%mul3A_2, %dma_wait3A_25] : memref<2048x512xi32, #tpu.memory_space<hbm>> -> memref<64x512xi32, #tpu.memory_space<hbm>>
    %dma_wait3A_27 = arith.constant 0 : i32
    %dma_wait3A_28 = tpu.memref_slice %arg6[%mul3A_2, %dma_wait3A_27] : memref<2048x512xi32, #tpu.memory_space<hbm>> -> memref<64x512xi32, #tpu.memory_space<hbm>>
    tpu.wait_dma2 semaphore(%arg12 : memref<!tpu.dma_semaphore, #tpu.memory_space<semaphore_mem>>) src(%arg10 : memref<64x512xi32, #tpu.memory_space<vmem>>) dst(%dma_wait3A_28 : memref<64x512xi32, #tpu.memory_space<hbm>>)
    return
  }
}

module attributes {stable_mosaic.version = 14 : i64} {
  func.func @_router_kernel(%arg0: memref<2048x1024xf32, #tpu.memory_space<vmem>>, %arg1: memref<1024x8xf32, #tpu.memory_space<vmem>>, %arg2: memref<2048x8xi32, #tpu.memory_space<vmem>>, %arg3: memref<2048x8xf32, #tpu.memory_space<vmem>>, %arg4: memref<32x8xi32, #tpu.memory_space<vmem>>, %arg5: memref<2048x512xi32, #tpu.memory_space<vmem>>, %arg6: memref<2048x8xf32, #tpu.memory_space<vmem>>, %arg7: memref<2048x8xbf16, #tpu.memory_space<vmem>>) attributes {dimension_semantics = [], scalar_prefetch = 0 : i64, scratch_operands = 2 : i64, tpu.core_type = #tpu.core_type<tc>} {
    %get3A = arith.constant 0 : index
    %get3A_0 = arith.constant 0 : index
    %get3A_1 = vector.load %arg0[%get3A, %get3A_0] : memref<2048x1024xf32, #tpu.memory_space<vmem>>, vector<2048x1024xf32>
    %slice3A = vector.extract_strided_slice %get3A_1 {offsets = [0, 0], sizes = [2048, 512], strides = [1, 1]} : vector<2048x1024xf32> to vector<2048x512xf32>
    %slice3A_2 = vector.extract_strided_slice %get3A_1 {offsets = [0, 512], sizes = [2048, 512], strides = [1, 1]} : vector<2048x1024xf32> to vector<2048x512xf32>
    %convert_element_type3A = arith.truncf %slice3A : vector<2048x512xf32> to vector<2048x512xbf16>
    %convert_element_type3A_3 = arith.extf %convert_element_type3A : vector<2048x512xbf16> to vector<2048x512xf32>
    %bitcast_convert_type3A = tpu.bitcast %convert_element_type3A_3 : vector<2048x512xf32> -> vector<2048x512xi32>
    %convert_element_type3A_4 = arith.truncf %slice3A_2 : vector<2048x512xf32> to vector<2048x512xbf16>
    %convert_element_type3A_5 = arith.extf %convert_element_type3A_4 : vector<2048x512xbf16> to vector<2048x512xf32>
    %bitcast_convert_type3A_6 = tpu.bitcast %convert_element_type3A_5 : vector<2048x512xf32> -> vector<2048x512xi32>
    %shift_right_logical3A = arith.constant 16 : i32
    %shift_right_logical3A_7 = vector.broadcast %shift_right_logical3A : i32 to vector<2048x512xi32>
    %shift_right_logical3A_8 = arith.shrui %bitcast_convert_type3A, %shift_right_logical3A_7 : vector<2048x512xi32>
    %and3A = arith.constant -65536 : i32
    %and3A_9 = vector.broadcast %and3A : i32 to vector<2048x512xi32>
    %and3A_10 = arith.andi %bitcast_convert_type3A_6, %and3A_9 : vector<2048x512xi32>
    %or3A = arith.ori %shift_right_logical3A_8, %and3A_10 : vector<2048x512xi32>
    %swap3A = arith.constant 0 : index
    %swap3A_11 = arith.constant 0 : index
    %swap3A_12 = vector.load %arg5[%swap3A, %swap3A_11] : memref<2048x512xi32, #tpu.memory_space<vmem>>, vector<2048x512xi32>
    tpu.vector_store %arg5[%swap3A, %swap3A_11], %or3A {strides = array<i32>} : memref<2048x512xi32, #tpu.memory_space<vmem>>, vector<2048x512xi32>,
    %get3A_13 = arith.constant 0 : index
    %get3A_14 = arith.constant 0 : index
    %get3A_15 = vector.load %arg1[%get3A_13, %get3A_14] : memref<1024x8xf32, #tpu.memory_space<vmem>>, vector<1024x8xf32>
    %dot_general3A = arith.constant dense<0.000000e+00> : vector<2048x8xf32>
    %dot_general3A_16 = tpu.matmul %get3A_1, %get3A_15, %dot_general3A {dimension_numbers = #tpu.dot_dimension_numbers<[1], [0], [0], [1], [0, 0, 1, 1], [], []>, transpose_lhs_hint = false} : vector<2048x1024xf32>, vector<1024x8xf32>, vector<2048x8xf32> -> vector<2048x8xf32>
    %reduce_max3A = arith.constant dense<0xFF800000> : vector<2048xf32>
    %reduce_max3A_17 = vector.multi_reduction <maximumf>, %dot_general3A_16, %reduce_max3A [1] : vector<2048x8xf32> to vector<2048xf32>
    %max3A = arith.constant 0xFF800000 : f32
    %max3A_18 = vector.broadcast %max3A : f32 to vector<2048xf32>
    %max3A_19 = arith.maximumf %max3A_18, %reduce_max3A_17 : vector<2048xf32>
    %broadcast_in_dim3A = vector.shape_cast %max3A_19 : vector<2048xf32> to vector<2048x1xf32>
    %sub3A = vector.broadcast %broadcast_in_dim3A : vector<2048x1xf32> to vector<2048x8xf32>
    %sub3A_20 = arith.subf %dot_general3A_16, %sub3A : vector<2048x8xf32>
    %exp3A = math.exp %sub3A_20 : vector<2048x8xf32>
    %reduce_sum3A = arith.constant dense<0.000000e+00> : vector<2048xf32>
    %reduce_sum3A_21 = vector.multi_reduction <add>, %exp3A, %reduce_sum3A [1] : vector<2048x8xf32> to vector<2048xf32>
    %broadcast_in_dim3A_22 = vector.shape_cast %reduce_sum3A_21 : vector<2048xf32> to vector<2048x1xf32>
    %div3A = vector.broadcast %broadcast_in_dim3A_22 : vector<2048x1xf32> to vector<2048x8xf32>
    %div3A_23 = arith.divf %exp3A, %div3A : vector<2048x8xf32>
    %reduce_max3A_24 = arith.constant dense<0xFF800000> : vector<2048xf32>
    %reduce_max3A_25 = vector.multi_reduction <maximumf>, %div3A_23, %reduce_max3A_24 [1] : vector<2048x8xf32> to vector<2048xf32>
    %broadcast_in_dim3A_26 = vector.shape_cast %reduce_max3A_25 : vector<2048xf32> to vector<2048x1xf32>
    %eq3A = vector.broadcast %broadcast_in_dim3A_26 : vector<2048x1xf32> to vector<2048x8xf32>
    %eq3A_27 = arith.cmpf oeq, %div3A_23, %eq3A : vector<2048x8xf32>
    %iota3A = tpu.iota {dimensions = array<i32: 1>} : vector<2048x8xi32>
    %jit3A = arith.constant 8 : i32
    %broadcast_in_dim3A_28 = vector.broadcast %jit3A : i32 to vector<2048x8xi32>
    %select_n3A = arith.select %eq3A_27, %iota3A, %broadcast_in_dim3A_28 : vector<2048x8xi1>, vector<2048x8xi32>
    %reduce_min3A = arith.constant dense<2147483647> : vector<2048xi32>
    %reduce_min3A_29 = vector.multi_reduction <minsi>, %select_n3A, %reduce_min3A [1] : vector<2048x8xi32> to vector<2048xi32>
    %broadcast_in_dim3A_30 = vector.shape_cast %reduce_min3A_29 : vector<2048xi32> to vector<2048x1xi32>
    %eq3A_31 = vector.broadcast %broadcast_in_dim3A_30 : vector<2048x1xi32> to vector<2048x8xi32>
    %eq3A_32 = arith.cmpi eq, %iota3A, %eq3A_31 : vector<2048x8xi32>
    %reduce_max3A_33 = arith.constant dense<0xFF800000> : vector<2048xf32>
    %reduce_max3A_34 = vector.multi_reduction <maximumf>, %div3A_23, %reduce_max3A_33 [1] : vector<2048x8xf32> to vector<2048xf32>
    %broadcast_in_dim3A_35 = vector.shape_cast %reduce_max3A_34 : vector<2048xf32> to vector<2048x1xf32>
    %jit3A_36 = arith.constant 0xFF800000 : f32
    %broadcast_in_dim3A_37 = vector.broadcast %jit3A_36 : f32 to vector<2048x8xf32>
    %select_n3A_38 = arith.select %eq3A_32, %broadcast_in_dim3A_37, %div3A_23 : vector<2048x8xi1>, vector<2048x8xf32>
    %reduce_max3A_39 = arith.constant dense<0xFF800000> : vector<2048xf32>
    %reduce_max3A_40 = vector.multi_reduction <maximumf>, %select_n3A_38, %reduce_max3A_39 [1] : vector<2048x8xf32> to vector<2048xf32>
    %broadcast_in_dim3A_41 = vector.shape_cast %reduce_max3A_40 : vector<2048xf32> to vector<2048x1xf32>
    %eq3A_42 = vector.broadcast %broadcast_in_dim3A_41 : vector<2048x1xf32> to vector<2048x8xf32>
    %eq3A_43 = arith.cmpf oeq, %select_n3A_38, %eq3A_42 : vector<2048x8xf32>
    %iota3A_44 = tpu.iota {dimensions = array<i32: 1>} : vector<2048x8xi32>
    %jit3A_45 = arith.constant 8 : i32
    %broadcast_in_dim3A_46 = vector.broadcast %jit3A_45 : i32 to vector<2048x8xi32>
    %select_n3A_47 = arith.select %eq3A_43, %iota3A_44, %broadcast_in_dim3A_46 : vector<2048x8xi1>, vector<2048x8xi32>
    %reduce_min3A_48 = arith.constant dense<2147483647> : vector<2048xi32>
    %reduce_min3A_49 = vector.multi_reduction <minsi>, %select_n3A_47, %reduce_min3A_48 [1] : vector<2048x8xi32> to vector<2048xi32>
    %broadcast_in_dim3A_50 = vector.shape_cast %reduce_min3A_49 : vector<2048xi32> to vector<2048x1xi32>
    %eq3A_51 = vector.broadcast %broadcast_in_dim3A_50 : vector<2048x1xi32> to vector<2048x8xi32>
    %eq3A_52 = arith.cmpi eq, %iota3A_44, %eq3A_51 : vector<2048x8xi32>
    %reduce_max3A_53 = arith.constant dense<0xFF800000> : vector<2048xf32>
    %reduce_max3A_54 = vector.multi_reduction <maximumf>, %select_n3A_38, %reduce_max3A_53 [1] : vector<2048x8xf32> to vector<2048xf32>
    %broadcast_in_dim3A_55 = vector.shape_cast %reduce_max3A_54 : vector<2048xf32> to vector<2048x1xf32>
    %add3A = arith.addf %broadcast_in_dim3A_35, %broadcast_in_dim3A_55 : vector<2048x1xf32>
    %add3A_56 = arith.constant 9.99999968E-21 : f32
    %add3A_57 = vector.broadcast %add3A_56 : f32 to vector<2048x1xf32>
    %add3A_58 = arith.addf %add3A, %add3A_57 : vector<2048x1xf32>
    %jit3A_59 = arith.constant 0.000000e+00 : f32
    %broadcast_in_dim3A_60 = vector.broadcast %jit3A_59 : f32 to vector<2048x8xf32>
    %select_n3A_61 = arith.select %eq3A_32, %div3A_23, %broadcast_in_dim3A_60 : vector<2048x8xi1>, vector<2048x8xf32>
    %jit3A_62 = arith.constant 0.000000e+00 : f32
    %broadcast_in_dim3A_63 = vector.broadcast %jit3A_62 : f32 to vector<2048x8xf32>
    %select_n3A_64 = arith.select %eq3A_52, %div3A_23, %broadcast_in_dim3A_63 : vector<2048x8xi1>, vector<2048x8xf32>
    %add3A_65 = arith.addf %select_n3A_61, %select_n3A_64 : vector<2048x8xf32>
    %div3A_66 = vector.broadcast %add3A_58 : vector<2048x1xf32> to vector<2048x8xf32>
    %div3A_67 = arith.divf %add3A_65, %div3A_66 : vector<2048x8xf32>
    %or3A_68 = arith.ori %eq3A_32, %eq3A_52 : vector<2048x8xi1>
    %jit3A_69 = arith.constant 1.000000e+00 : f32
    %jit3A_70 = arith.constant 0.000000e+00 : f32
    %broadcast_in_dim3A_71 = vector.broadcast %jit3A_69 : f32 to vector<2048x8xf32>
    %broadcast_in_dim3A_72 = vector.broadcast %jit3A_70 : f32 to vector<2048x8xf32>
    %select_n3A_73 = arith.select %or3A_68, %broadcast_in_dim3A_71, %broadcast_in_dim3A_72 : vector<2048x8xi1>, vector<2048x8xf32>
    %convert_element_type3A_74 = arith.truncf %select_n3A_73 : vector<2048x8xf32> to vector<2048x8xbf16>
    %swap3A_75 = arith.constant 0 : index
    %swap3A_76 = arith.constant 0 : index
    %swap3A_77 = vector.load %arg7[%swap3A_75, %swap3A_76] : memref<2048x8xbf16, #tpu.memory_space<vmem>>, vector<2048x8xbf16>
    tpu.vector_store %arg7[%swap3A_75, %swap3A_76], %convert_element_type3A_74 {strides = array<i32>} : memref<2048x8xbf16, #tpu.memory_space<vmem>>, vector<2048x8xbf16>,
    %iota3A_78 = tpu.iota {dimensions = array<i32: 0>} : vector<256x256xi32>
    %iota3A_79 = tpu.iota {dimensions = array<i32: 1>} : vector<256x256xi32>
    %lt3A = arith.cmpi slt, %iota3A_79, %iota3A_78 : vector<256x256xi32>
    %jit3A_80 = arith.constant 1.000000e+00 : f32
    %jit3A_81 = arith.constant 0.000000e+00 : f32
    %broadcast_in_dim3A_82 = vector.broadcast %jit3A_80 : f32 to vector<256x256xf32>
    %broadcast_in_dim3A_83 = vector.broadcast %jit3A_81 : f32 to vector<256x256xf32>
    %select_n3A_84 = arith.select %lt3A, %broadcast_in_dim3A_82, %broadcast_in_dim3A_83 : vector<256x256xi1>, vector<256x256xf32>
    %convert_element_type3A_85 = arith.truncf %select_n3A_84 : vector<256x256xf32> to vector<256x256xbf16>
    %broadcast_in_dim3A_86 = arith.constant 0.000000e+00 : f32
    %broadcast_in_dim3A_87 = vector.broadcast %broadcast_in_dim3A_86 : f32 to vector<1x8xf32>
    %scan3A = arith.constant 0 : i32
    %scan3A_88 = arith.constant 8 : i32
    %scan3A_89 = arith.addi %scan3A, %scan3A_88 : i32
    %scan3A_90 = arith.constant 1 : i32
    %scan3A_91 = scf.for %scan3A_237 = %scan3A to %scan3A_89 step %scan3A_90 iter_args(%scan3A_238 = %broadcast_in_dim3A_87) -> (vector<1x8xf32>)  : i32 {
      %mul3A_239 = arith.constant 256 : i32
      %mul3A_240 = arith.muli %scan3A_237, %mul3A_239 : i32
      %get3A_241 = arith.index_cast %mul3A_240 : i32 to index
      %get3A_242 = arith.constant 0 : index
      %get3A_243 = vector.load %arg7[%get3A_241, %get3A_242] : memref<2048x8xbf16, #tpu.memory_space<vmem>>, vector<256x8xbf16>
      %dot_general3A_244 = arith.constant dense<0.000000e+00> : vector<256x8xf32>
      %dot_general3A_245 = tpu.matmul %convert_element_type3A_85, %get3A_243, %dot_general3A_244 {dimension_numbers = #tpu.dot_dimension_numbers<[1], [0], [0], [1], [0, 0, 1, 1], [], []>, transpose_lhs_hint = false} : vector<256x256xbf16>, vector<256x8xbf16>, vector<256x8xf32> -> vector<256x8xf32>
      %add3A_246 = vector.broadcast %scan3A_238 : vector<1x8xf32> to vector<256x8xf32>
      %add3A_247 = arith.addf %dot_general3A_245, %add3A_246 : vector<256x8xf32>
      %swap3A_248 = arith.index_cast %mul3A_240 : i32 to index
      %swap3A_249 = arith.constant 0 : index
      %swap3A_250 = vector.load %arg6[%swap3A_248, %swap3A_249] : memref<2048x8xf32, #tpu.memory_space<vmem>>, vector<256x8xf32>
      tpu.vector_store %arg6[%swap3A_248, %swap3A_249], %add3A_247 {strides = array<i32>} : memref<2048x8xf32, #tpu.memory_space<vmem>>, vector<256x8xf32>,
      %convert_element_type3A_251 = arith.extf %get3A_243 : vector<256x8xbf16> to vector<256x8xf32>
      %reduce_sum3A_252 = arith.constant dense<0.000000e+00> : vector<8xf32>
      %reduce_sum3A_253 = vector.multi_reduction <add>, %convert_element_type3A_251, %reduce_sum3A_252 [0] : vector<256x8xf32> to vector<8xf32>
      %broadcast_in_dim3A_254 = vector.shape_cast %reduce_sum3A_253 : vector<8xf32> to vector<1x8xf32>
      %add3A_255 = arith.addf %scan3A_238, %broadcast_in_dim3A_254 : vector<1x8xf32>
      scf.yield %add3A_255 : vector<1x8xf32>
    }
    %scan3A_92 = arith.constant 8 : i32
    %get3A_93 = arith.constant 0 : index
    %get3A_94 = arith.constant 0 : index
    %get3A_95 = vector.load %arg6[%get3A_93, %get3A_94] : memref<2048x8xf32, #tpu.memory_space<vmem>>, vector<2048x8xf32>
    %reduce_sum3A_96 = arith.constant dense<0.000000e+00> : vector<8xf32>
    %reduce_sum3A_97 = vector.multi_reduction <add>, %select_n3A_73, %reduce_sum3A_96 [0] : vector<2048x8xf32> to vector<8xf32>
    %broadcast_in_dim3A_98 = vector.shape_cast %reduce_sum3A_97 : vector<8xf32> to vector<1x8xf32>
    %add3A_99 = arith.constant 5.110000e+02 : f32
    %add3A_100 = vector.broadcast %add3A_99 : f32 to vector<1x8xf32>
    %add3A_101 = arith.addf %broadcast_in_dim3A_98, %add3A_100 : vector<1x8xf32>
    %mul3A = arith.constant 0.001953125 : f32
    %mul3A_102 = vector.broadcast %mul3A : f32 to vector<1x8xf32>
    %mul3A_103 = arith.mulf %add3A_101, %mul3A_102 : vector<1x8xf32>
    %floor3A = math.floor %mul3A_103 : vector<1x8xf32>
    %iota3A_104 = tpu.iota {dimensions = array<i32: 0>} : vector<8x8xi32>
    %iota3A_105 = tpu.iota {dimensions = array<i32: 1>} : vector<8x8xi32>
    %lt3A_106 = arith.cmpi slt, %iota3A_104, %iota3A_105 : vector<8x8xi32>
    %jit3A_107 = arith.constant 1.000000e+00 : f32
    %jit3A_108 = arith.constant 0.000000e+00 : f32
    %broadcast_in_dim3A_109 = vector.broadcast %jit3A_107 : f32 to vector<8x8xf32>
    %broadcast_in_dim3A_110 = vector.broadcast %jit3A_108 : f32 to vector<8x8xf32>
    %select_n3A_111 = arith.select %lt3A_106, %broadcast_in_dim3A_109, %broadcast_in_dim3A_110 : vector<8x8xi1>, vector<8x8xf32>
    %dot_general3A_112 = arith.constant dense<0.000000e+00> : vector<1x8xf32>
    %dot_general3A_113 = tpu.matmul %floor3A, %select_n3A_111, %dot_general3A_112 {dimension_numbers = #tpu.dot_dimension_numbers<[1], [0], [0], [1], [0, 0, 1, 1], [], []>, transpose_lhs_hint = false} : vector<1x8xf32>, vector<8x8xf32>, vector<1x8xf32> -> vector<1x8xf32>
    %mul3A_114 = arith.constant 5.120000e+02 : f32
    %mul3A_115 = vector.broadcast %mul3A_114 : f32 to vector<1x8xf32>
    %mul3A_116 = arith.mulf %mul3A_115, %dot_general3A_113 : vector<1x8xf32>
    %add3A_117 = vector.broadcast %mul3A_116 : vector<1x8xf32> to vector<2048x8xf32>
    %add3A_118 = arith.addf %add3A_117, %get3A_95 : vector<2048x8xf32>
    %jit3A_119 = arith.constant 0.000000e+00 : f32
    %broadcast_in_dim3A_120 = vector.broadcast %jit3A_119 : f32 to vector<2048x8xf32>
    %select_n3A_121 = arith.select %eq3A_32, %add3A_118, %broadcast_in_dim3A_120 : vector<2048x8xi1>, vector<2048x8xf32>
    %reduce_sum3A_122 = arith.constant dense<0.000000e+00> : vector<2048xf32>
    %reduce_sum3A_123 = vector.multi_reduction <add>, %select_n3A_121, %reduce_sum3A_122 [1] : vector<2048x8xf32> to vector<2048xf32>
    %broadcast_in_dim3A_124 = vector.shape_cast %reduce_sum3A_123 : vector<2048xf32> to vector<2048x1xf32>
    %jit3A_125 = arith.constant 0.000000e+00 : f32
    %broadcast_in_dim3A_126 = vector.broadcast %jit3A_125 : f32 to vector<2048x8xf32>
    %select_n3A_127 = arith.select %eq3A_52, %add3A_118, %broadcast_in_dim3A_126 : vector<2048x8xi1>, vector<2048x8xf32>
    %reduce_sum3A_128 = arith.constant dense<0.000000e+00> : vector<2048xf32>
    %reduce_sum3A_129 = vector.multi_reduction <add>, %select_n3A_127, %reduce_sum3A_128 [1] : vector<2048x8xf32> to vector<2048xf32>
    %broadcast_in_dim3A_130 = vector.shape_cast %reduce_sum3A_129 : vector<2048xf32> to vector<2048x1xf32>
    %jit3A_131 = arith.constant 0.000000e+00 : f32
    %broadcast_in_dim3A_132 = vector.broadcast %jit3A_131 : f32 to vector<2048x8xf32>
    %select_n3A_133 = arith.select %eq3A_32, %div3A_67, %broadcast_in_dim3A_132 : vector<2048x8xi1>, vector<2048x8xf32>
    %reduce_sum3A_134 = arith.constant dense<0.000000e+00> : vector<2048xf32>
    %reduce_sum3A_135 = vector.multi_reduction <add>, %select_n3A_133, %reduce_sum3A_134 [1] : vector<2048x8xf32> to vector<2048xf32>
    %broadcast_in_dim3A_136 = vector.shape_cast %reduce_sum3A_135 : vector<2048xf32> to vector<2048x1xf32>
    %jit3A_137 = arith.constant 0.000000e+00 : f32
    %broadcast_in_dim3A_138 = vector.broadcast %jit3A_137 : f32 to vector<2048x8xf32>
    %select_n3A_139 = arith.select %eq3A_52, %div3A_67, %broadcast_in_dim3A_138 : vector<2048x8xi1>, vector<2048x8xf32>
    %reduce_sum3A_140 = arith.constant dense<0.000000e+00> : vector<2048xf32>
    %reduce_sum3A_141 = vector.multi_reduction <add>, %select_n3A_139, %reduce_sum3A_140 [1] : vector<2048x8xf32> to vector<2048xf32>
    %broadcast_in_dim3A_142 = vector.shape_cast %reduce_sum3A_141 : vector<2048xf32> to vector<2048x1xf32>
    %iota3A_143 = tpu.iota {dimensions = array<i32: 1>} : vector<2048x8xi32>
    %eq3A_144 = arith.constant 0 : i32
    %eq3A_145 = vector.broadcast %eq3A_144 : i32 to vector<2048x8xi32>
    %eq3A_146 = arith.cmpi eq, %iota3A_143, %eq3A_145 : vector<2048x8xi32>
    %eq3A_147 = arith.constant 1 : i32
    %eq3A_148 = vector.broadcast %eq3A_147 : i32 to vector<2048x8xi32>
    %eq3A_149 = arith.cmpi eq, %iota3A_143, %eq3A_148 : vector<2048x8xi32>
    %jit3A_150 = arith.constant 0.000000e+00 : f32
    %broadcast_in_dim3A_151 = vector.shape_cast %broadcast_in_dim3A_130 : vector<2048x1xf32> to vector<2048x1xf32>
    %broadcast_in_dim3A_152 = vector.broadcast %broadcast_in_dim3A_151 : vector<2048x1xf32> to vector<2048x8xf32>
    %broadcast_in_dim3A_153 = vector.broadcast %jit3A_150 : f32 to vector<2048x8xf32>
    %select_n3A_154 = arith.select %eq3A_149, %broadcast_in_dim3A_152, %broadcast_in_dim3A_153 : vector<2048x8xi1>, vector<2048x8xf32>
    %broadcast_in_dim3A_155 = vector.shape_cast %broadcast_in_dim3A_124 : vector<2048x1xf32> to vector<2048x1xf32>
    %broadcast_in_dim3A_156 = vector.broadcast %broadcast_in_dim3A_155 : vector<2048x1xf32> to vector<2048x8xf32>
    %select_n3A_157 = arith.select %eq3A_146, %broadcast_in_dim3A_156, %select_n3A_154 : vector<2048x8xi1>, vector<2048x8xf32>
    %convert_element_type3A_158 = arith.fptosi %select_n3A_157 : vector<2048x8xf32> to vector<2048x8xi32>
    %swap3A_159 = arith.constant 0 : index
    %swap3A_160 = arith.constant 0 : index
    %swap3A_161 = vector.load %arg2[%swap3A_159, %swap3A_160] : memref<2048x8xi32, #tpu.memory_space<vmem>>, vector<2048x8xi32>
    tpu.vector_store %arg2[%swap3A_159, %swap3A_160], %convert_element_type3A_158 {strides = array<i32>} : memref<2048x8xi32, #tpu.memory_space<vmem>>, vector<2048x8xi32>,
    %eq3A_162 = arith.constant 0 : i32
    %eq3A_163 = vector.broadcast %eq3A_162 : i32 to vector<2048x8xi32>
    %eq3A_164 = arith.cmpi eq, %iota3A_143, %eq3A_163 : vector<2048x8xi32>
    %eq3A_165 = arith.constant 1 : i32
    %eq3A_166 = vector.broadcast %eq3A_165 : i32 to vector<2048x8xi32>
    %eq3A_167 = arith.cmpi eq, %iota3A_143, %eq3A_166 : vector<2048x8xi32>
    %jit3A_168 = arith.constant 0.000000e+00 : f32
    %broadcast_in_dim3A_169 = vector.shape_cast %broadcast_in_dim3A_142 : vector<2048x1xf32> to vector<2048x1xf32>
    %broadcast_in_dim3A_170 = vector.broadcast %broadcast_in_dim3A_169 : vector<2048x1xf32> to vector<2048x8xf32>
    %broadcast_in_dim3A_171 = vector.broadcast %jit3A_168 : f32 to vector<2048x8xf32>
    %select_n3A_172 = arith.select %eq3A_167, %broadcast_in_dim3A_170, %broadcast_in_dim3A_171 : vector<2048x8xi1>, vector<2048x8xf32>
    %broadcast_in_dim3A_173 = vector.shape_cast %broadcast_in_dim3A_136 : vector<2048x1xf32> to vector<2048x1xf32>
    %broadcast_in_dim3A_174 = vector.broadcast %broadcast_in_dim3A_173 : vector<2048x1xf32> to vector<2048x8xf32>
    %select_n3A_175 = arith.select %eq3A_164, %broadcast_in_dim3A_174, %select_n3A_172 : vector<2048x8xi1>, vector<2048x8xf32>
    %swap3A_176 = arith.constant 0 : index
    %swap3A_177 = arith.constant 0 : index
    %swap3A_178 = vector.load %arg3[%swap3A_176, %swap3A_177] : memref<2048x8xf32, #tpu.memory_space<vmem>>, vector<2048x8xf32>
    tpu.vector_store %arg3[%swap3A_176, %swap3A_177], %select_n3A_175 {strides = array<i32>} : memref<2048x8xf32, #tpu.memory_space<vmem>>, vector<2048x8xf32>,
    %iota3A_179 = tpu.iota {dimensions = array<i32: 0>} : vector<32x8xi32>
    %convert_element_type3A_180 = arith.sitofp %iota3A_179 : vector<32x8xi32> to vector<32x8xf32>
    %ge3A = vector.broadcast %dot_general3A_113 : vector<1x8xf32> to vector<32x8xf32>
    %ge3A_181 = arith.cmpf oge, %convert_element_type3A_180, %ge3A : vector<32x8xf32>
    %add3A_182 = arith.addf %dot_general3A_113, %floor3A : vector<1x8xf32>
    %lt3A_183 = vector.broadcast %add3A_182 : vector<1x8xf32> to vector<32x8xf32>
    %lt3A_184 = arith.cmpf olt, %convert_element_type3A_180, %lt3A_183 : vector<32x8xf32>
    %and3A_185 = arith.andi %ge3A_181, %lt3A_184 : vector<32x8xi1>
    %iota3A_186 = tpu.iota {dimensions = array<i32: 1>} : vector<32x8xi32>
    %convert_element_type3A_187 = arith.sitofp %iota3A_186 : vector<32x8xi32> to vector<32x8xf32>
    %jit3A_188 = arith.constant 0.000000e+00 : f32
    %broadcast_in_dim3A_189 = vector.broadcast %jit3A_188 : f32 to vector<32x8xf32>
    %select_n3A_190 = arith.select %and3A_185, %convert_element_type3A_187, %broadcast_in_dim3A_189 : vector<32x8xi1>, vector<32x8xf32>
    %reduce_sum3A_191 = arith.constant dense<0.000000e+00> : vector<32xf32>
    %reduce_sum3A_192 = vector.multi_reduction <add>, %select_n3A_190, %reduce_sum3A_191 [1] : vector<32x8xf32> to vector<32xf32>
    %broadcast_in_dim3A_193 = vector.shape_cast %reduce_sum3A_192 : vector<32xf32> to vector<32x1xf32>
    %jit3A_194 = arith.constant 1.000000e+00 : f32
    %jit3A_195 = arith.constant 0.000000e+00 : f32
    %broadcast_in_dim3A_196 = vector.broadcast %jit3A_194 : f32 to vector<32x8xf32>
    %broadcast_in_dim3A_197 = vector.broadcast %jit3A_195 : f32 to vector<32x8xf32>
    %select_n3A_198 = arith.select %and3A_185, %broadcast_in_dim3A_196, %broadcast_in_dim3A_197 : vector<32x8xi1>, vector<32x8xf32>
    %reduce_sum3A_199 = arith.constant dense<0.000000e+00> : vector<32xf32>
    %reduce_sum3A_200 = vector.multi_reduction <add>, %select_n3A_198, %reduce_sum3A_199 [1] : vector<32x8xf32> to vector<32xf32>
    %broadcast_in_dim3A_201 = vector.shape_cast %reduce_sum3A_200 : vector<32xf32> to vector<32x1xf32>
    %iota3A_202 = tpu.iota {dimensions = array<i32: 1>} : vector<1x8xi32>
    %convert_element_type3A_203 = arith.sitofp %iota3A_202 : vector<1x8xi32> to vector<1x8xf32>
    %gt3A = arith.constant 0.000000e+00 : f32
    %gt3A_204 = vector.broadcast %gt3A : f32 to vector<1x8xf32>
    %gt3A_205 = arith.cmpf ogt, %floor3A, %gt3A_204 : vector<1x8xf32>
    %jit3A_206 = arith.constant 0.000000e+00 : f32
    %broadcast_in_dim3A_207 = vector.broadcast %jit3A_206 : f32 to vector<1x8xf32>
    %select_n3A_208 = arith.select %gt3A_205, %convert_element_type3A_203, %broadcast_in_dim3A_207 : vector<1x8xi1>, vector<1x8xf32>
    %reduce_max3A_209 = arith.constant dense<0xFF800000> : vector<1xf32>
    %reduce_max3A_210 = vector.multi_reduction <maximumf>, %select_n3A_208, %reduce_max3A_209 [1] : vector<1x8xf32> to vector<1xf32>
    %broadcast_in_dim3A_211 = vector.shape_cast %reduce_max3A_210 : vector<1xf32> to vector<1x1xf32>
    %gt3A_212 = arith.constant 0.000000e+00 : f32
    %gt3A_213 = vector.broadcast %gt3A_212 : f32 to vector<32x1xf32>
    %gt3A_214 = arith.cmpf ogt, %broadcast_in_dim3A_201, %gt3A_213 : vector<32x1xf32>
    %broadcast_in_dim3A_215 = vector.shape_cast %broadcast_in_dim3A_211 : vector<1x1xf32> to vector<1x1xf32>
    %broadcast_in_dim3A_216 = vector.broadcast %broadcast_in_dim3A_215 : vector<1x1xf32> to vector<32x1xf32>
    %select_n3A_217 = arith.select %gt3A_214, %broadcast_in_dim3A_193, %broadcast_in_dim3A_216 : vector<32x1xi1>, vector<32x1xf32>
    %iota3A_218 = tpu.iota {dimensions = array<i32: 1>} : vector<32x8xi32>
    %eq3A_219 = arith.constant 0 : i32
    %eq3A_220 = vector.broadcast %eq3A_219 : i32 to vector<32x8xi32>
    %eq3A_221 = arith.cmpi eq, %iota3A_218, %eq3A_220 : vector<32x8xi32>
    %eq3A_222 = arith.constant 1 : i32
    %eq3A_223 = vector.broadcast %eq3A_222 : i32 to vector<32x8xi32>
    %eq3A_224 = arith.cmpi eq, %iota3A_218, %eq3A_223 : vector<32x8xi32>
    %jit3A_225 = arith.constant 0.000000e+00 : f32
    %broadcast_in_dim3A_226 = vector.shape_cast %broadcast_in_dim3A_201 : vector<32x1xf32> to vector<32x1xf32>
    %broadcast_in_dim3A_227 = vector.broadcast %broadcast_in_dim3A_226 : vector<32x1xf32> to vector<32x8xf32>
    %broadcast_in_dim3A_228 = vector.broadcast %jit3A_225 : f32 to vector<32x8xf32>
    %select_n3A_229 = arith.select %eq3A_224, %broadcast_in_dim3A_227, %broadcast_in_dim3A_228 : vector<32x8xi1>, vector<32x8xf32>
    %broadcast_in_dim3A_230 = vector.shape_cast %select_n3A_217 : vector<32x1xf32> to vector<32x1xf32>
    %broadcast_in_dim3A_231 = vector.broadcast %broadcast_in_dim3A_230 : vector<32x1xf32> to vector<32x8xf32>
    %select_n3A_232 = arith.select %eq3A_221, %broadcast_in_dim3A_231, %select_n3A_229 : vector<32x8xi1>, vector<32x8xf32>
    %convert_element_type3A_233 = arith.fptosi %select_n3A_232 : vector<32x8xf32> to vector<32x8xi32>
    %swap3A_234 = arith.constant 0 : index
    %swap3A_235 = arith.constant 0 : index
    %swap3A_236 = vector.load %arg4[%swap3A_234, %swap3A_235] : memref<32x8xi32, #tpu.memory_space<vmem>>, vector<32x8xi32>
    tpu.vector_store %arg4[%swap3A_234, %swap3A_235], %convert_element_type3A_233 {strides = array<i32>} : memref<32x8xi32, #tpu.memory_space<vmem>>, vector<32x8xi32>,
    return
  }
}

module attributes {stable_mosaic.version = 14 : i64} {
  func.func @_gemm_body(%arg0: i32, %arg1: memref<16xi32, #tpu.memory_space<smem>>, %arg2: memref<16xi32, #tpu.memory_space<smem>>, %arg3: memref<512x512xi32, #tpu.memory_space<vmem>>, %arg4: memref<1x1024x512xbf16, #tpu.memory_space<vmem>>, %arg5: memref<1x1024x512xbf16, #tpu.memory_space<vmem>>, %arg6: memref<1x512x1024xbf16, #tpu.memory_space<vmem>>, %arg7: memref<512x512xi32, #tpu.memory_space<vmem>>) attributes {dimension_semantics = [#tpu.dimension_semantics<arbitrary>], iteration_bounds = array<i64: 16>, scalar_prefetch = 2 : i64, scratch_operands = 0 : i64, tpu.core_type = #tpu.core_type<tc>, window_params = [{transform_indices = @transform_0, window_bounds = array<i64: 512, 512>}, {transform_indices = @transform_1, window_bounds = array<i64: 1, 1024, 512>}, {transform_indices = @transform_2, window_bounds = array<i64: 1, 1024, 512>}, {transform_indices = @transform_3, window_bounds = array<i64: 1, 512, 1024>}, {transform_indices = @transform_4, window_bounds = array<i64: 512, 512>}]} {
    %get3A = arith.index_cast %arg0 : i32 to index
    %get3A_0 = memref.load %arg2[%get3A] : memref<16xi32, #tpu.memory_space<smem>>
    %eq3A = arith.constant 1 : i32
    %eq3A_1 = arith.cmpi eq, %get3A_0, %eq3A : i32
    %convert_element_type3A = arith.extui %eq3A_1 : i1 to i32
    %cond3A = arith.constant 0 : i32
    %cond3A_2 = arith.cmpi ne, %convert_element_type3A, %cond3A : i32
    scf.if %cond3A_2 {
      %get3A_3 = arith.constant 0 : index
      %get3A_4 = arith.constant 0 : index
      %get3A_5 = vector.load %arg3[%get3A_3, %get3A_4] : memref<512x512xi32, #tpu.memory_space<vmem>>, vector<512x512xi32>
      %shift_left3A = arith.constant 16 : i32
      %shift_left3A_6 = vector.broadcast %shift_left3A : i32 to vector<512x512xi32>
      %shift_left3A_7 = arith.shli %get3A_5, %shift_left3A_6 : vector<512x512xi32>
      %bitcast_convert_type3A = tpu.bitcast %shift_left3A_7 : vector<512x512xi32> -> vector<512x512xf32>
      %and3A = arith.constant -65536 : i32
      %and3A_8 = vector.broadcast %and3A : i32 to vector<512x512xi32>
      %and3A_9 = arith.andi %get3A_5, %and3A_8 : vector<512x512xi32>
      %bitcast_convert_type3A_10 = tpu.bitcast %and3A_9 : vector<512x512xi32> -> vector<512x512xf32>
      %convert_element_type3A_11 = arith.truncf %bitcast_convert_type3A : vector<512x512xf32> to vector<512x512xbf16>
      %convert_element_type3A_12 = arith.truncf %bitcast_convert_type3A_10 : vector<512x512xf32> to vector<512x512xbf16>
      %concatenate3A = tpu.concatenate %convert_element_type3A_11, %convert_element_type3A_12 in 1 : vector<512x512xbf16>, vector<512x512xbf16> -> vector<512x1024xbf16>
      %get3A_13 = arith.constant 0 : index
      %get3A_14 = arith.constant 0 : index
      %get3A_15 = arith.constant 0 : index
      %get3A_16 = vector.load %arg4[%get3A_13, %get3A_14, %get3A_15] : memref<1x1024x512xbf16, #tpu.memory_space<vmem>>, vector<1x1024x512xbf16>
      %get3A_17 = vector.shape_cast %get3A_16 : vector<1x1024x512xbf16> to vector<1024x512xbf16>
      %get3A_18 = arith.constant 0 : index
      %get3A_19 = arith.constant 0 : index
      %get3A_20 = arith.constant 0 : index
      %get3A_21 = vector.load %arg5[%get3A_18, %get3A_19, %get3A_20] : memref<1x1024x512xbf16, #tpu.memory_space<vmem>>, vector<1x1024x512xbf16>
      %get3A_22 = vector.shape_cast %get3A_21 : vector<1x1024x512xbf16> to vector<1024x512xbf16>
      %get3A_23 = arith.constant 0 : index
      %get3A_24 = arith.constant 0 : index
      %get3A_25 = arith.constant 0 : index
      %get3A_26 = vector.load %arg6[%get3A_23, %get3A_24, %get3A_25] : memref<1x512x1024xbf16, #tpu.memory_space<vmem>>, vector<1x512x1024xbf16>
      %get3A_27 = vector.shape_cast %get3A_26 : vector<1x512x1024xbf16> to vector<512x1024xbf16>
      %dot_general3A = arith.constant dense<0.000000e+00> : vector<512x512xf32>
      %dot_general3A_28 = tpu.matmul %concatenate3A, %get3A_17, %dot_general3A {dimension_numbers = #tpu.dot_dimension_numbers<[1], [0], [0], [1], [0, 0, 1, 1], [], []>, transpose_lhs_hint = false} : vector<512x1024xbf16>, vector<1024x512xbf16>, vector<512x512xf32> -> vector<512x512xf32>
      %dot_general3A_29 = arith.constant dense<0.000000e+00> : vector<512x512xf32>
      %dot_general3A_30 = tpu.matmul %concatenate3A, %get3A_22, %dot_general3A_29 {dimension_numbers = #tpu.dot_dimension_numbers<[1], [0], [0], [1], [0, 0, 1, 1], [], []>, transpose_lhs_hint = false} : vector<512x1024xbf16>, vector<1024x512xbf16>, vector<512x512xf32> -> vector<512x512xf32>
      %logistic3A = arith.negf %dot_general3A_28 : vector<512x512xf32>
      %logistic3A_31 = math.exp %logistic3A : vector<512x512xf32>
      %logistic3A_32 = arith.constant 1.000000e+00 : f32
      %logistic3A_33 = vector.broadcast %logistic3A_32 : f32 to vector<512x512xf32>
      %logistic3A_34 = arith.addf %logistic3A_33, %logistic3A_31 : vector<512x512xf32>
      %logistic3A_35 = arith.divf %logistic3A_33, %logistic3A_34 : vector<512x512xf32>
      %mul3A = arith.mulf %dot_general3A_28, %logistic3A_35 : vector<512x512xf32>
      %mul3A_36 = arith.mulf %mul3A, %dot_general3A_30 : vector<512x512xf32>
      %convert_element_type3A_37 = arith.truncf %mul3A_36 : vector<512x512xf32> to vector<512x512xbf16>
      %dot_general3A_38 = arith.constant dense<0.000000e+00> : vector<512x1024xf32>
      %dot_general3A_39 = tpu.matmul %convert_element_type3A_37, %get3A_27, %dot_general3A_38 {dimension_numbers = #tpu.dot_dimension_numbers<[1], [0], [0], [1], [0, 0, 1, 1], [], []>, transpose_lhs_hint = false} : vector<512x512xbf16>, vector<512x1024xbf16>, vector<512x1024xf32> -> vector<512x1024xf32>
      %slice3A = vector.extract_strided_slice %dot_general3A_39 {offsets = [0, 0], sizes = [512, 512], strides = [1, 1]} : vector<512x1024xf32> to vector<512x512xf32>
      %slice3A_40 = vector.extract_strided_slice %dot_general3A_39 {offsets = [0, 512], sizes = [512, 512], strides = [1, 1]} : vector<512x1024xf32> to vector<512x512xf32>
      %convert_element_type3A_41 = arith.truncf %slice3A : vector<512x512xf32> to vector<512x512xbf16>
      %convert_element_type3A_42 = arith.extf %convert_element_type3A_41 : vector<512x512xbf16> to vector<512x512xf32>
      %bitcast_convert_type3A_43 = tpu.bitcast %convert_element_type3A_42 : vector<512x512xf32> -> vector<512x512xi32>
      %convert_element_type3A_44 = arith.truncf %slice3A_40 : vector<512x512xf32> to vector<512x512xbf16>
      %convert_element_type3A_45 = arith.extf %convert_element_type3A_44 : vector<512x512xbf16> to vector<512x512xf32>
      %bitcast_convert_type3A_46 = tpu.bitcast %convert_element_type3A_45 : vector<512x512xf32> -> vector<512x512xi32>
      %shift_right_logical3A = arith.constant 16 : i32
      %shift_right_logical3A_47 = vector.broadcast %shift_right_logical3A : i32 to vector<512x512xi32>
      %shift_right_logical3A_48 = arith.shrui %bitcast_convert_type3A_43, %shift_right_logical3A_47 : vector<512x512xi32>
      %and3A_49 = arith.constant -65536 : i32
      %and3A_50 = vector.broadcast %and3A_49 : i32 to vector<512x512xi32>
      %and3A_51 = arith.andi %bitcast_convert_type3A_46, %and3A_50 : vector<512x512xi32>
      %or3A = arith.ori %shift_right_logical3A_48, %and3A_51 : vector<512x512xi32>
      %swap3A = arith.constant 0 : index
      %swap3A_52 = arith.constant 0 : index
      %swap3A_53 = vector.load %arg7[%swap3A, %swap3A_52] : memref<512x512xi32, #tpu.memory_space<vmem>>, vector<512x512xi32>
      tpu.vector_store %arg7[%swap3A, %swap3A_52], %or3A {strides = array<i32>} : memref<512x512xi32, #tpu.memory_space<vmem>>, vector<512x512xi32>,
    } else {
    }
    return
  }
  func.func @transform_0(%arg0: i32, %arg1: memref<16xi32, #tpu.memory_space<smem>>, %arg2: memref<16xi32, #tpu.memory_space<smem>>) -> (i32, i32) {
    %c0_i32 = arith.constant 0 : i32
    %c0_i32_0 = arith.constant 0 : i32
    return %arg0, %c0_i32 : i32, i32
  }
  func.func @transform_1(%arg0: i32, %arg1: memref<16xi32, #tpu.memory_space<smem>>, %arg2: memref<16xi32, #tpu.memory_space<smem>>) -> (i32, i32, i32) {
    %get3A = arith.index_cast %arg0 : i32 to index
    %get3A_0 = memref.load %arg1[%get3A] : memref<16xi32, #tpu.memory_space<smem>>
    %c0_i32 = arith.constant 0 : i32
    %c0_i32_1 = arith.constant 0 : i32
    %c0_i32_2 = arith.constant 0 : i32
    return %get3A_0, %c0_i32, %c0_i32_1 : i32, i32, i32
  }
  func.func @transform_2(%arg0: i32, %arg1: memref<16xi32, #tpu.memory_space<smem>>, %arg2: memref<16xi32, #tpu.memory_space<smem>>) -> (i32, i32, i32) {
    %get3A = arith.index_cast %arg0 : i32 to index
    %get3A_0 = memref.load %arg1[%get3A] : memref<16xi32, #tpu.memory_space<smem>>
    %c0_i32 = arith.constant 0 : i32
    %c0_i32_1 = arith.constant 0 : i32
    %c0_i32_2 = arith.constant 0 : i32
    return %get3A_0, %c0_i32, %c0_i32_1 : i32, i32, i32
  }
  func.func @transform_3(%arg0: i32, %arg1: memref<16xi32, #tpu.memory_space<smem>>, %arg2: memref<16xi32, #tpu.memory_space<smem>>) -> (i32, i32, i32) {
    %get3A = arith.index_cast %arg0 : i32 to index
    %get3A_0 = memref.load %arg1[%get3A] : memref<16xi32, #tpu.memory_space<smem>>
    %c0_i32 = arith.constant 0 : i32
    %c0_i32_1 = arith.constant 0 : i32
    %c0_i32_2 = arith.constant 0 : i32
    return %get3A_0, %c0_i32, %c0_i32_1 : i32, i32, i32
  }
  func.func @transform_4(%arg0: i32, %arg1: memref<16xi32, #tpu.memory_space<smem>>, %arg2: memref<16xi32, #tpu.memory_space<smem>>) -> (i32, i32) {
    %c0_i32 = arith.constant 0 : i32
    %c0_i32_0 = arith.constant 0 : i32
    return %arg0, %c0_i32 : i32, i32
  }
}

module attributes {stable_mosaic.version = 14 : i64} {
  func.func @_combine_body(%arg0: i32, %arg1: memref<512x512xi32, #tpu.memory_space<vmem>>, %arg2: memref<512x512xi32, #tpu.memory_space<vmem>>, %arg3: memref<512x8xf32, #tpu.memory_space<vmem>>, %arg4: memref<512x1024xf32, #tpu.memory_space<vmem>>) attributes {dimension_semantics = [#tpu.dimension_semantics<arbitrary>], iteration_bounds = array<i64: 4>, scalar_prefetch = 0 : i64, scratch_operands = 0 : i64, tpu.core_type = #tpu.core_type<tc>, window_params = [{transform_indices = @transform_0, window_bounds = array<i64: 512, 512>}, {transform_indices = @transform_1, window_bounds = array<i64: 512, 512>}, {transform_indices = @transform_2, window_bounds = array<i64: 512, 8>}, {transform_indices = @transform_3, window_bounds = array<i64: 512, 1024>}]} {
    %get3A = arith.constant 0 : index
    %get3A_0 = arith.constant 0 : index
    %get3A_1 = vector.load %arg3[%get3A, %get3A_0] : memref<512x8xf32, #tpu.memory_space<vmem>>, vector<512x8xf32>
    %slice3A = vector.extract_strided_slice %get3A_1 {offsets = [0, 0], sizes = [512, 1], strides = [1, 1]} : vector<512x8xf32> to vector<512x1xf32>
    %slice3A_2 = vector.extract_strided_slice %get3A_1 {offsets = [0, 1], sizes = [512, 1], strides = [1, 1]} : vector<512x8xf32> to vector<512x1xf32>
    %get3A_3 = arith.constant 0 : index
    %get3A_4 = arith.constant 0 : index
    %get3A_5 = vector.load %arg1[%get3A_3, %get3A_4] : memref<512x512xi32, #tpu.memory_space<vmem>>, vector<512x512xi32>
    %shift_left3A = arith.constant 16 : i32
    %shift_left3A_6 = vector.broadcast %shift_left3A : i32 to vector<512x512xi32>
    %shift_left3A_7 = arith.shli %get3A_5, %shift_left3A_6 : vector<512x512xi32>
    %bitcast_convert_type3A = tpu.bitcast %shift_left3A_7 : vector<512x512xi32> -> vector<512x512xf32>
    %and3A = arith.constant -65536 : i32
    %and3A_8 = vector.broadcast %and3A : i32 to vector<512x512xi32>
    %and3A_9 = arith.andi %get3A_5, %and3A_8 : vector<512x512xi32>
    %bitcast_convert_type3A_10 = tpu.bitcast %and3A_9 : vector<512x512xi32> -> vector<512x512xf32>
    %get3A_11 = arith.constant 0 : index
    %get3A_12 = arith.constant 0 : index
    %get3A_13 = vector.load %arg2[%get3A_11, %get3A_12] : memref<512x512xi32, #tpu.memory_space<vmem>>, vector<512x512xi32>
    %shift_left3A_14 = arith.constant 16 : i32
    %shift_left3A_15 = vector.broadcast %shift_left3A_14 : i32 to vector<512x512xi32>
    %shift_left3A_16 = arith.shli %get3A_13, %shift_left3A_15 : vector<512x512xi32>
    %bitcast_convert_type3A_17 = tpu.bitcast %shift_left3A_16 : vector<512x512xi32> -> vector<512x512xf32>
    %and3A_18 = arith.constant -65536 : i32
    %and3A_19 = vector.broadcast %and3A_18 : i32 to vector<512x512xi32>
    %and3A_20 = arith.andi %get3A_13, %and3A_19 : vector<512x512xi32>
    %bitcast_convert_type3A_21 = tpu.bitcast %and3A_20 : vector<512x512xi32> -> vector<512x512xf32>
    %mul3A = vector.broadcast %slice3A : vector<512x1xf32> to vector<512x512xf32>
    %mul3A_22 = arith.mulf %mul3A, %bitcast_convert_type3A : vector<512x512xf32>
    %mul3A_23 = vector.broadcast %slice3A_2 : vector<512x1xf32> to vector<512x512xf32>
    %mul3A_24 = arith.mulf %mul3A_23, %bitcast_convert_type3A_17 : vector<512x512xf32>
    %add3A = arith.addf %mul3A_22, %mul3A_24 : vector<512x512xf32>
    %mul3A_25 = vector.broadcast %slice3A : vector<512x1xf32> to vector<512x512xf32>
    %mul3A_26 = arith.mulf %mul3A_25, %bitcast_convert_type3A_10 : vector<512x512xf32>
    %mul3A_27 = vector.broadcast %slice3A_2 : vector<512x1xf32> to vector<512x512xf32>
    %mul3A_28 = arith.mulf %mul3A_27, %bitcast_convert_type3A_21 : vector<512x512xf32>
    %add3A_29 = arith.addf %mul3A_26, %mul3A_28 : vector<512x512xf32>
    %concatenate3A = tpu.concatenate %add3A, %add3A_29 in 1 : vector<512x512xf32>, vector<512x512xf32> -> vector<512x1024xf32>
    %swap3A = arith.constant 0 : index
    %swap3A_30 = arith.constant 0 : index
    %swap3A_31 = vector.load %arg4[%swap3A, %swap3A_30] : memref<512x1024xf32, #tpu.memory_space<vmem>>, vector<512x1024xf32>
    tpu.vector_store %arg4[%swap3A, %swap3A_30], %concatenate3A {strides = array<i32>} : memref<512x1024xf32, #tpu.memory_space<vmem>>, vector<512x1024xf32>,
    return
  }
  func.func @transform_0(%arg0: i32) -> (i32, i32) {
    %c0_i32 = arith.constant 0 : i32
    %c0_i32_0 = arith.constant 0 : i32
    return %arg0, %c0_i32 : i32, i32
  }
  func.func @transform_1(%arg0: i32) -> (i32, i32) {
    %c0_i32 = arith.constant 0 : i32
    %c0_i32_0 = arith.constant 0 : i32
    return %arg0, %c0_i32 : i32, i32
  }
  func.func @transform_2(%arg0: i32) -> (i32, i32) {
    %c0_i32 = arith.constant 0 : i32
    %c0_i32_0 = arith.constant 0 : i32
    return %arg0, %c0_i32 : i32, i32
  }
  func.func @transform_3(%arg0: i32) -> (i32, i32) {
    %c0_i32 = arith.constant 0 : i32
    %c0_i32_0 = arith.constant 0 : i32
    return %arg0, %c0_i32 : i32, i32
  }
}

</mosaic_0001>

<sc_bundles>
// kernel: kernel.10.cloned.1.call-start
scs
__scs_entry_jumppad:
0x0: {  	(pc) =	sbr.rel $0x88, $3  }
0x1: {  	(tag) =	ssettag $0x0;
	lr =	simm.s32 $0x1  }
0x2: {  	[smem:$0x3F9C] =	sst lr;
	_ =	strace $0xD0000000  }
0x3: {  	_ = 	snop  }
0x4: {  	_ = 	snop  }
0x5: {  	_ = 	snop  }
0x6: {  	_ = 	snop  }
0x7: {  	_ = 	snop  }
__scs_overlays_trampoline_lowered:
0x8: {  	[smem:$0x3FAB] =	sst s0  }
0x9: {  	[smem:$0x3FAC] =	sst s1  }
0xa: {  	[smem:$0x3FAD] =	sst s2  }
0xb: {  	[smem:$0x3FAE] =	sst s3  }
0xc: {  	[smem:$0x3FAF] =	sst s4  }
0xd: {  	[smem:$0x3FB0] =	sst s5  }
0xe: {  	[smem:$0x3FB1] =	sst s6  }
0xf: {  	[smem:$0x3FB2] =	sst s7  }
0x10: {  	[smem:$0x3FB3] =	sst s8  }
0x11: {  	[smem:$0x3FB4] =	sst s9;
	s0 =	simm.s32 @!p0 $0x0  }
0x12: {  	s1 =	sld [smem:$0x3F9A];
	s0 =	simm.s32 @p0 $0x1  }
0x13: {  	[smem:$0x3FB5] =	sst s0;
	s0 =	simm.s32 @!p1 $0x0  }
0x14: {  	s2 =	sld [smem:$0x3F99];
	s0 =	simm.s32 @p1 $0x1  }
0x15: {  	[smem:$0x3FB6] =	sst s0;
	s0 =	simm.s32 @!p2 $0x0  }
0x16: {  	s3 =	sld [smem:$0x3FDB];
	s0 =	simm.s32 @p2 $0x1  }
0x17: {  	s4 =	simm.s32 $0x1BF5;
	[smem:$0x3FB8] =	sst s0  }
0x18: {  	s0 =	sld [smem:$0x3F9B];
	_ =	swait.ge [sflag:s4], $0x0  }
0x19: {  	s7 =	sld [smem:$0x3F9C]  }
0x1a: {  	s8 =	sadd.s32 $0xFFFFE003, lr  }
0x1b: {  	s9 =	sadd.s32 $0xFFFFFEF7, lr;
	s5 =	simm.s32 $0xFFFFFFFF;
	p2 =	slt.u32 s8, $0xFFFFF086  }
0x1c: {  	p1 =	slt.u32 s9, $0xF7A;
	s5 =	simm.s32 @!p2 $0x0  }
0x1d: {  	s5 =	simm.s32 @p1 $0x1;
	p0 =	seq.s32 s7, s2  }
0x1e: {  	s7 =	smul.u32 @!p0 $0xF7A, s2;
	p2 =	seq.s32 @!p0 s5, $0x0  }
0x1f: {  	s9 =	smul.u32 $0xF7A, s1;
	s8 =	simm.s32 @!p0 $0x1BF5;
	p2 =	por !p2, p0  }
0x20: {  	[sflag:s8] =	ssyncset.s32 @!p0 $0xFFFFF086;
	s6 =	sadd.s32 @!p0 s3, s7;
	s7 =	simm.s32 @!p0 $0x108  }
0x21: {  	s3 =	sadd.s32 s3, s9;
	s6 =	sadd.s32 @!p0 $0x88, s6;
	s7 =	simm.s32 @p2 $0x1082  }
0x22: {  	[simem:s7], [sflag:s8] =	dma.local @!p0 [hbm:s6], $0xF7A  }
0x23: {  	s9 =	sor.u32 $0xD0000000, s2;
	s6 =	simm.s32 $0x108;
	_ =	swait.ge @!p0 [sflag:s8], $0x0  }
0x24: {  	s3 =	sadd.s32 $0x88, s3;
	s6 =	simm.s32 @!p1 $0x1082;
	[sflag:s4] =	ssyncset.s32 $0xFFFFF086  }
0x25: {  	[simem:s6], [sflag:s4] =	dma.local [hbm:s3], $0xF7A  }
0x26: {  	[smem:$0x3F9C] =	sst s1;
	(tag) =	ssettag s2;
	_ =	strace s9  }
0x27: {  	s1 =	sld [smem:$0x3FAC]  }
0x28: {  	s2 =	sld [smem:$0x3FAD]  }
0x29: {  	s4 =	sld [smem:$0x3FAF]  }
0x2a: {  	p0 =	seq.s32 s5, $0x0;
	s5 =	sld [smem:$0x3FB0]  }
0x2b: {  	s6 =	sld [smem:$0x3FB1]  }
0x2c: {  	s7 =	sld [smem:$0x3FB2]  }
0x2d: {  	s3 =	simm.s32 $0x108;
	s8 =	sld [smem:$0x3FB3]  }
0x2e: {  	s3 =	simm.s32 @!p0 $0x1082;
	s9 =	sld [smem:$0x3FB4]  }
0x2f: {  	lr =	sadd.s32 s0, s3;
	s0 =	sld [smem:$0x3FAB]  }
0x30: {  	s3 =	sld [smem:$0x3FAE]  }
0x31: {  	[smem:$0x3FB7] =	sst s10  }
0x32: {  	s10 =	sld [smem:$0x3FB5];
	_ =	sdelay $0x3  }
0x33: {  	p0 =	seq.s32 s10, $0x1;
	s10 =	sld [smem:$0x3FB7];
	_ =	sdelay $0x3  }
0x34: {  	[smem:$0x3FB7] =	sst s10  }
0x35: {  	s10 =	sld [smem:$0x3FB6];
	_ =	sdelay $0x3  }
0x36: {  	p1 =	seq.s32 s10, $0x1;
	s10 =	sld [smem:$0x3FB7];
	_ =	sdelay $0x3  }
0x37: {  	[smem:$0x3FB7] =	sst s10  }
0x38: {  	s10 =	sld [smem:$0x3FB8]  }
0x39: {  	_ = 	snop;
	(pc) =	sbr.ind lr, $3  }
0x3a: {  	_ = 	snop  }
0x3b: {  	_ = 	snop  }
0x3c: {  	p2 =	seq.s32 s10, $0x1;
	s10 =	sld [smem:$0x3FB7]  }
0x3d: {  	_ =	shalt  }
0x3e: {  	_ =	shalt  }
0x3f: {  	_ =	shalt  }
0x40: {  	_ =	shalt  }
0x41: {  	_ =	shalt  }
0x42: {  	_ =	shalt  }
0x43: {  	_ =	shalt  }
0x44: {  	_ =	shalt  }
0x45: {  	_ =	shalt  }
0x46: {  	_ =	shalt  }
0x47: {  	_ =	shalt  }
0x48: {  	_ =	shalt  }
0x49: {  	_ =	shalt  }
0x4a: {  	_ =	shalt  }
0x4b: {  	_ =	shalt  }
0x4c: {  	_ =	shalt  }
0x4d: {  	_ =	shalt  }
0x4e: {  	_ =	shalt  }
0x4f: {  	_ =	shalt  }
0x50: {  	_ =	shalt  }
0x51: {  	_ =	shalt  }
0x52: {  	_ =	shalt  }
0x53: {  	_ =	shalt  }
0x54: {  	_ =	shalt  }
0x55: {  	_ =	shalt  }
0x56: {  	_ =	shalt  }
0x57: {  	_ =	shalt  }
0x58: {  	_ =	shalt  }
0x59: {  	_ =	shalt  }
0x5a: {  	_ =	shalt  }
0x5b: {  	_ =	shalt  }
0x5c: {  	_ =	shalt  }
0x5d: {  	_ =	shalt  }
0x5e: {  	_ =	shalt  }
0x5f: {  	_ =	shalt  }
0x60: {  	_ =	shalt  }
0x61: {  	_ =	shalt  }
0x62: {  	_ =	shalt  }
0x63: {  	_ =	shalt  }
0x64: {  	_ =	shalt  }
0x65: {  	_ =	shalt  }
0x66: {  	_ =	shalt  }
0x67: {  	_ =	shalt  }
0x68: {  	_ =	shalt  }
0x69: {  	_ =	shalt  }
0x6a: {  	_ =	shalt  }
0x6b: {  	_ =	shalt  }
0x6c: {  	_ =	shalt  }
0x6d: {  	_ =	shalt  }
0x6e: {  	_ =	shalt  }
0x6f: {  	_ =	shalt  }
0x70: {  	_ =	shalt  }
0x71: {  	_ =	shalt  }
0x72: {  	_ =	shalt  }
0x73: {  	_ =	shalt  }
0x74: {  	_ =	shalt  }
0x75: {  	_ =	shalt  }
0x76: {  	_ =	shalt  }
0x77: {  	_ =	shalt  }
0x78: {  	_ =	shalt  }
0x79: {  	_ =	shalt  }
0x7a: {  	_ =	shalt  }
0x7b: {  	_ =	shalt  }
0x7c: {  	_ =	shalt  }
0x7d: {  	_ =	shalt  }
0x7e: {  	_ =	shalt  }
0x7f: {  	_ =	shalt  }
0x80: {  	_ =	shalt  }
0x81: {  	_ =	shalt  }
0x82: {  	_ =	shalt  }
0x83: {  	_ =	shalt  }
0x84: {  	_ =	shalt  }
0x85: {  	_ =	shalt  }
0x86: {  	_ =	shalt  }
0x87: {  	_ =	shalt  }
.Lfunc_end0:
.L_simem_size_0:
called_computation.1_lowered:
.L_overlay_start_0:
0x88: {  	s2 =	sld [smem:$0x3FD9]  }
0x89: {  	s3 =	sld [smem:$0x3FFE];
	_ =	sdelay $0x1  }
0x8a: {  	s1 =	srdreg.scid  }
0x8b: {  	s0 =	sand.u32 $0x1, s1  }
0x8c: {  	s17 =	sshll.u32 s0, $0xA;
	s2 =	sadd.s32 s3, s2  }
0x8d: {  	s2 =	sadd.s32 s2, s17  }
0x8e: {  	[smem:$0x3FC3] =	sst s2  }
0x8f: {  	_ = 	snop  }
0x90: {  	s2 =	sld [smem:$0x3FD0];
	(tm) =	ssettm $0x1  }
0x91: {  	s18 =	sld [smem:$0x3FFB];
	_ =	sdelay $0x3  }
0x92: {  	_ =	strace s18  }
0x93: {  	s3 =	sld [smem:$0x3FFC];
	_ =	sdelay $0x3  }
0x94: {  	_ =	strace s3  }
0x95: {  	s3 =	sld [smem:$0x3FFD];
	_ =	sdelay $0x3  }
0x96: {  	_ =	strace s3  }
0x97: {  	_ =	strace $0x8FFFFFFF  }
0x98: {  	s19 =	sld [smem:$0x3FDB];
	_ =	sdelay $0x1  }
0x99: {  	s4 =	simm.s32 $_scs_section_size  }
0x9a: {  	s5 =	simm.s32 $_size__tile_overlayer_lowered;
	s6 =	simm.s32 $_tile_overlayer_lowered  }
0x9b: {  	s22 =	simm.s32 $0x1BFF;
	s21 =	sshll.u32 s6, $0x1;
	s3 =	sadd.s32 s4, s19  }
0x9c: {  	s7 =	simm.s32 $0x0;
	s20 =	sshll.u32 s5, $0x1;
	s5 =	sadd.s32 s21, s3  }
0x9d: {  	[timem:s7], [sflag:s22] =	dma.local [hbm:s5], s20  }
0x9e: {  	_ =	swait.ge [sflag:s22], s20  }
0x9f: {  	s4 =	ssub.s32 $0x0, s20;
	[sflag:s22] =	ssyncset.done $0x0  }
0xa0: {  	[sflag:s22] =	ssyncadd.s32 s4;
	_ =	sdelay $0x1  }
0xa1: {  	s23 =	simm.s32 $0x1B8B  }
0xa2: {  	_ =	swait.ge [sflag:s23], $0x1  }
0xa3: {  	[sflag:s23] =	ssyncset.done $0x0  }
0xa4: {  	s25 =	simm.s32 $0x1B8E;
	s24 =	sld [smem:$0x3FFE];
	[sflag:s23] =	ssyncadd.s32 $0xFFFFFFFF  }
0xa5: {  	s26 =	simm.s32 $execute0_lowered;
	[smem:$0x3FD2] =	sst s25  }
0xa6: {  	s5 =	sshll.u32 s26, $0x1;
	_ =	strace $0x80000049;
	[dreg:$0x1] =	wrdreg $0xFFFFFFFF  }
0xa7: {  	s28 =	simm.s32 $_size_execute0_lowered;
	s3 =	sadd.s32 s3, s5;
	[dreg:$0x0] =	wrdreg $0x0  }
0xa8: {  	s5 =	sshll.u32 s28, $0x1;
	[dreg:$0x2] =	wrdreg s3  }
0xa9: {  	[dreg:$0x3] =	wrdreg s5  }
0xaa: {  	[dreg:$0x4] =	wrdreg $0xC0  }
0xab: {  	_ =	task [dreg:s7], $0x5FFFF  }
0xac: {  	[dreg:$0x1] =	wrdreg $0xFFFFFFFF  }
0xad: {  	[dreg:$0x0] =	wrdreg $0x60  }
0xae: {  	[dreg:$0x2] =	wrdreg s24  }
0xaf: {  	[dreg:$0x3] =	wrdreg s2  }
0xb0: {  	[dreg:$0x4] =	wrdreg $0x9  }
0xb1: {  	_ =	task.clear_ibuf [dreg:s7], $0x5FFFF;
	_ =	strace $0x90000049  }
0xb2: {  	s29 =	simm.s32 $0x9;
	_ =	strace $0x8000004B  }
0xb3: {  	_ =	swait.ge [sflag:s29], $0x1  }
0xb4: {  	[sflag:s29] =	ssyncadd.s32 $0xFFFFFFFF  }
0xb5: {  	_ =	strace $0x9000004B  }
0xb6: {  	_ =	sfence  }
0xb7: {  	s30 =	sld [smem:$0x0];
	_ =	sdelay $0x2  }
0xb8: {  	s31 =	sshll.u32 s1, $0xD;
	s1 =	sshrl.u32 s1, $0x2  }
0xb9: {  	s3 =	sand.u32 $0x4000, s31;
	s1 =	sadd.s32 s1, s30  }
0xba: {  	s0 =	sor.u32 s3, s0;
	s1 =	sshll.u32 s1, $0x11  }
0xbb: {  	s0 =	sor.u32 s1, s0  }
0xbc: {  	s0 =	sadd.s32 $0x8F2B, s0  }
0xbd: {  	[sflag:s0] =	ssyncadd.remote.s32 $0x1  }
0xbe: {  	_ =	sfence.sel $0xFFFF  }
0xbf: {  	[dreg:$0x0] =	wrdreg $0xFFFFFFFF;
	(pc) =	sbr.abs _section_cstart, $3  }
0xc0: {  	[dreg:$0x1] =	wrdreg $0xFFFFFFFF  }
0xc1: {  	_ =	task.clear_ibuf [dreg:s7], $0x2FFFF;
	_ =	strace $0x9FFFFFFF  }
0xc2: {  	(tm) =	ssettm $0x7FFFFFFF  }
0xc3: {  	_ =	shalt  }
tec
execute0_lowered:
.L_overlay_start_1:
0x0: {  	(tag) =	ssettag $0x1  }
0x1: {  	s1 =	srdreg.scid;
	s4 =	rddreg [dreg:$0x0]  }
0x2: {  	s0 =	stileid.u32;
	s3 =	rddreg [dreg:$0x1]  }
0x3: {  	s16 =	simm.s32 $0x80;
	s17 =	simm.s32 $0x900;
	s18 =	simm.s32 $0x1100  }
0x4: {  	s19 =	simm.s32 $0x1900;
	s20 =	simm.s32 $0x2100;
	s21 =	simm.s32 $0x2900  }
0x5: {  	s23 =	simm.s32 $0x3100;
	s1 =	sand.u32 $0x1, s1;
	s2 =	sshll.u32 s0, $0x1  }
0x6: {  	s24 =	simm.s32 $0x3900;
	s5 =	sor.u32 s1, s2;
	s2 =	simm.s32 $0x0  }
0x7: {  	s25 =	simm.s32 $0x4100;
	s26 =	simm.s32 $0x4900;
	[smem:$0x7FF] =	sst s2  }
0x8: {  	s9 =	simm.s32 $0x5900;
	_ =	strace $0x8000004A;
	[dreg:$0x7] =	wrdreg s16  }
0x9: {  	s10 =	simm.s32 $0x6100;
	s11 =	simm.s32 $0x6900;
	[dreg:$0x8] =	wrdreg s17  }
0xa: {  	s12 =	simm.s32 $0x7100;
	s13 =	simm.s32 $0x7900;
	[dreg:$0x9] =	wrdreg s18  }
0xb: {  	s28 =	simm.s32 $0xE900;
	s29 =	simm.s32 $0xF100;
	[dreg:$0xa] =	wrdreg s19  }
0xc: {  	s30 =	simm.s32 $0xF900;
	s31 =	simm.s32 $0x1;
	[dreg:$0xb] =	wrdreg s20  }
0xd: {  	s1 =	ssub.s32 $0x2, s1;
	s6 =	sshll.u32 s5, $0x4;
	[dreg:$0xc] =	wrdreg s21  }
0xe: {  	s5 =	sshll.u32 s5, $0xC;
	s22 =	sshrl.u32 s1, $0x1;
	[dreg:$0xd] =	wrdreg s23  }
0xf: {  	s6 =	sadd.s32 s6, s4;
	s14 =	sadd.s32 s5, s4;
	[dreg:$0xe] =	wrdreg s24  }
0x10: {  	s3 =	sadd.s32 s3, s5;
	s1 =	ssub.s32 s1, s22;
	[dreg:$0xf] =	wrdreg s25  }
0x11: {  	[dreg:$0x10] =	wrdreg s26;
	s16 =	simm.s32 $0x9100;
	s17 =	simm.s32 $0x9900  }
0x12: {  	s18 =	simm.s32 $0xA100;
	s19 =	simm.s32 $0xA900;
	s20 =	simm.s32 $0xB100  }
0x13: {  	s21 =	simm.s32 $0xB900;
	s22 =	simm.s32 $0xC100;
	s23 =	simm.s32 $0xC900  }
0x14: {  	s24 =	simm.s32 $0xD100;
	s25 =	simm.s32 $0xD900;
	s26 =	simm.s32 $0xE100  }
0x15: {  	s7 =	sadd.s32 $0x21600, s6;
	s6 =	sadd.s32 $0x21400, s6;
	[dreg:$0x5] =	wrdreg s3  }
0x16: {  	s15 =	sadd.s32 $0x1400, s14;
	s3 =	sadd.s32 $0xA1800, s4;
	[dreg:$0x3] =	wrdreg s7  }
0x17: {  	v2 =	vlaneseq.u32;
	s4 =	sadd.s32 $0xA1900, s4;
	s5 =	smax.u32 s1, $0x1;
	[dreg:$0x4] =	wrdreg s6  }
0x18: {  	vm0 =	vmmov $0xffff;
	v1 =	vshrl.u32 v2, $0x3;
	s14 =	simm.s32 $0x8100;
	s1 =	simm.s32 $0x2;
	[dreg:$0x6] =	wrdreg s15  }
0x19: {  	v0 =	vand.u32 $0x7, v2;
	v2 =	vor.u32 $0x8, v2;
	v1 =	vmul.u32 $0x8, v1;
	s6 =	simm.s32 $0x3;
	s7 =	simm.s32 $0x100;
	s15 =	simm.s32 $0x8900  }
.LBB2_1:
0x1a: {  	s0 =	rddreg [dreg:$0x3]  }
0x1b: {  	[tilespmem:s2], [sflag:$0x3] =	stream.linear.gather [hbm4b:s0+s2], $0x80, $0x38;
	[tilespmem:$0x10100] =	vst v63  }
0x1c: {  	_ =	swait.ge [sflag:s6], $0x80  }
0x1d: {  	s0 =	rddreg [dreg:$0x4];
	[sflag:s6] =	ssyncset.done $0x0  }
0x1e: {  	s8 =	rddreg [dreg:$0x7];
	[sflag:s6] =	ssyncadd.s32 $0xFFFFFF80  }
0x1f: {  	[tilespmem:s8], [sflag:$0x3] =	stream.linear.gather [hbm4b:s0+s2], $0x80, $0x38;
	[tilespmem:$0x10100] =	vst v63  }
0x20: {  	_ =	swait.ge [sflag:s6], $0x80  }
0x21: {  	[sflag:s6] =	ssyncset.done $0x0  }
0x22: {  	[sflag:s6] =	ssyncadd.s32 $0xFFFFFF80  }
0x23: {  	v3 =	vld [tilespmem:$0x0];
	_ =	sdelay $0x4  }
0x24: {  	v4 =	vshll.u32 v3, $0x2  }
0x25: {  	v3 =	vand.u32 $0x7, v3;
	v4 =	vand.u32 $0xFFFFFFE0, v4  }
0x26: {  	v3 =	vor.u32 v3, v4  }
0x27: {  	v4 =	vperm.xlane v3, v0;
	_ =	sdelay $0x1  }
0x28: {  	v4 =	vadd.s32 v1, v4;
	_ =	sdelay $0x1  }
0x29: {  	v3 =	vperm.xlane v3, v2;
	_ =	sdelay $0x1  }
0x2a: {  	v3 =	vadd.s32 v1, v3  }
0x2b: {  	[tilespmem:s7], [sflag:$0x1] =	stream.indirect_vreg.gather [hbm4b:s3+s2], $0x80, v4, vm0, $0xb8;
	[tilespmem:$0x10100] =	vst v63  }
0x2c: {  	s0 =	rddreg [dreg:$0x8]  }
0x2d: {  	[tilespmem:s0], [sflag:$0x1] =	stream.indirect_vreg.gather [hbm4b:s4+s2], $0x80, v4, vm0, $0xb8;
	[tilespmem:$0x10100] =	vst v63  }
0x2e: {  	s8 =	rddreg [dreg:$0x9]  }
0x2f: {  	[tilespmem:s8], [sflag:$0x1] =	stream.indirect_vreg.gather [hbm4b:s3+s2], $0x80, v3, vm0, $0xb8;
	[tilespmem:$0x10100] =	vst v63  }
0x30: {  	s0 =	rddreg [dreg:$0xa]  }
0x31: {  	[tilespmem:s0], [sflag:$0x1] =	stream.indirect_vreg.gather [hbm4b:s4+s2], $0x80, v3, vm0, $0xb8;
	[tilespmem:$0x10100] =	vst v63  }
0x32: {  	v3 =	vld [tilespmem:$0x10];
	_ =	sdelay $0x4  }
0x33: {  	v57 =	vshll.u32 v3, $0x2  }
0x34: {  	v3 =	vand.u32 $0x7, v3;
	v4 =	vand.u32 $0xFFFFFFE0, v57  }
0x35: {  	v3 =	vor.u32 v3, v4  }
0x36: {  	v4 =	vperm.xlane v3, v0;
	_ =	sdelay $0x1  }
0x37: {  	v4 =	vadd.s32 v1, v4;
	_ =	sdelay $0x1  }
0x38: {  	v3 =	vperm.xlane v3, v2;
	_ =	sdelay $0x1  }
0x39: {  	s0 =	rddreg [dreg:$0xb];
	v3 =	vadd.s32 v1, v3  }
0x3a: {  	[tilespmem:s0], [sflag:$0x1] =	stream.indirect_vreg.gather [hbm4b:s3+s2], $0x80, v4, vm0, $0xb8;
	[tilespmem:$0x10100] =	vst v63  }
0x3b: {  	s8 =	rddreg [dreg:$0xc]  }
0x3c: {  	[tilespmem:s8], [sflag:$0x1] =	stream.indirect_vreg.gather [hbm4b:s4+s2], $0x80, v4, vm0, $0xb8;
	[tilespmem:$0x10100] =	vst v63  }
0x3d: {  	s0 =	rddreg [dreg:$0xd]  }
0x3e: {  	[tilespmem:s0], [sflag:$0x1] =	stream.indirect_vreg.gather [hbm4b:s3+s2], $0x80, v3, vm0, $0xb8;
	[tilespmem:$0x10100] =	vst v63  }
0x3f: {  	s8 =	rddreg [dreg:$0xe]  }
0x40: {  	[tilespmem:s8], [sflag:$0x1] =	stream.indirect_vreg.gather [hbm4b:s4+s2], $0x80, v3, vm0, $0xb8;
	[tilespmem:$0x10100] =	vst v63  }
0x41: {  	v3 =	vld [tilespmem:$0x20];
	_ =	sdelay $0x4  }
0x42: {  	v58 =	vshll.u32 v3, $0x2  }
0x43: {  	v3 =	vand.u32 $0x7, v3;
	v4 =	vand.u32 $0xFFFFFFE0, v58  }
0x44: {  	v3 =	vor.u32 v3, v4  }
0x45: {  	v4 =	vperm.xlane v3, v0;
	_ =	sdelay $0x1  }
0x46: {  	v4 =	vadd.s32 v1, v4;
	_ =	sdelay $0x1  }
0x47: {  	v3 =	vperm.xlane v3, v2;
	_ =	sdelay $0x1  }
0x48: {  	s0 =	rddreg [dreg:$0xf];
	v3 =	vadd.s32 v1, v3  }
0x49: {  	[tilespmem:s0], [sflag:$0x1] =	stream.indirect_vreg.gather [hbm4b:s3+s2], $0x80, v4, vm0, $0xb8;
	[tilespmem:$0x10100] =	vst v63  }
0x4a: {  	s8 =	rddreg [dreg:$0x10]  }
0x4b: {  	[tilespmem:s8], [sflag:$0x1] =	stream.indirect_vreg.gather [hbm4b:s4+s2], $0x80, v4, vm0, $0xb8;
	[tilespmem:$0x10100] =	vst v63  }
0x4c: {  	s8 =	simm.s32 $0x5100  }
0x4d: {  	[tilespmem:s8], [sflag:$0x1] =	stream.indirect_vreg.gather [hbm4b:s3+s2], $0x80, v3, vm0, $0xb8;
	[tilespmem:$0x10100] =	vst v63  }
0x4e: {  	_ = 	snop  }
0x4f: {  	[tilespmem:s9], [sflag:$0x1] =	stream.indirect_vreg.gather [hbm4b:s4+s2], $0x80, v3, vm0, $0xb8;
	[tilespmem:$0x10100] =	vst v63  }
0x50: {  	v3 =	vld [tilespmem:$0x30];
	_ =	sdelay $0x4  }
0x51: {  	v59 =	vshll.u32 v3, $0x2  }
0x52: {  	v3 =	vand.u32 $0x7, v3;
	v4 =	vand.u32 $0xFFFFFFE0, v59  }
0x53: {  	v3 =	vor.u32 v3, v4  }
0x54: {  	v4 =	vperm.xlane v3, v0;
	_ =	sdelay $0x1  }
0x55: {  	v4 =	vadd.s32 v1, v4;
	_ =	sdelay $0x1  }
0x56: {  	v3 =	vperm.xlane v3, v2;
	_ =	sdelay $0x1  }
0x57: {  	v3 =	vadd.s32 v1, v3  }
0x58: {  	[tilespmem:s10], [sflag:$0x1] =	stream.indirect_vreg.gather [hbm4b:s3+s2], $0x80, v4, vm0, $0xb8;
	[tilespmem:$0x10100] =	vst v63  }
0x59: {  	_ = 	snop  }
0x5a: {  	[tilespmem:s11], [sflag:$0x1] =	stream.indirect_vreg.gather [hbm4b:s4+s2], $0x80, v4, vm0, $0xb8;
	[tilespmem:$0x10100] =	vst v63  }
0x5b: {  	_ = 	snop  }
0x5c: {  	[tilespmem:s12], [sflag:$0x1] =	stream.indirect_vreg.gather [hbm4b:s3+s2], $0x80, v3, vm0, $0xb8;
	[tilespmem:$0x10100] =	vst v63  }
0x5d: {  	_ = 	snop  }
0x5e: {  	[tilespmem:s13], [sflag:$0x1] =	stream.indirect_vreg.gather [hbm4b:s4+s2], $0x80, v3, vm0, $0xb8;
	[tilespmem:$0x10100] =	vst v63  }
0x5f: {  	v3 =	vld [tilespmem:$0x80];
	_ =	sdelay $0x4  }
0x60: {  	v60 =	vshll.u32 v3, $0x2  }
0x61: {  	v3 =	vand.u32 $0x7, v3;
	v4 =	vand.u32 $0xFFFFFFE0, v60  }
0x62: {  	v3 =	vor.u32 v3, v4  }
0x63: {  	v4 =	vperm.xlane v3, v0;
	_ =	sdelay $0x1  }
0x64: {  	v4 =	vadd.s32 v1, v4;
	_ =	sdelay $0x1  }
0x65: {  	v3 =	vperm.xlane v3, v2;
	_ =	sdelay $0x1  }
0x66: {  	v3 =	vadd.s32 v1, v3  }
0x67: {  	[tilespmem:s14], [sflag:$0x2] =	stream.indirect_vreg.gather [hbm4b:s3+s2], $0x80, v4, vm0, $0xb8;
	[tilespmem:$0x10100] =	vst v63  }
0x68: {  	_ = 	snop  }
0x69: {  	[tilespmem:s15], [sflag:$0x2] =	stream.indirect_vreg.gather [hbm4b:s4+s2], $0x80, v4, vm0, $0xb8;
	[tilespmem:$0x10100] =	vst v63  }
0x6a: {  	_ = 	snop  }
0x6b: {  	[tilespmem:s16], [sflag:$0x2] =	stream.indirect_vreg.gather [hbm4b:s3+s2], $0x80, v3, vm0, $0xb8;
	[tilespmem:$0x10100] =	vst v63  }
0x6c: {  	_ = 	snop  }
0x6d: {  	[tilespmem:s17], [sflag:$0x2] =	stream.indirect_vreg.gather [hbm4b:s4+s2], $0x80, v3, vm0, $0xb8;
	[tilespmem:$0x10100] =	vst v63  }
0x6e: {  	v3 =	vld [tilespmem:$0x90];
	_ =	sdelay $0x4  }
0x6f: {  	v61 =	vshll.u32 v3, $0x2  }
0x70: {  	v3 =	vand.u32 $0x7, v3;
	v4 =	vand.u32 $0xFFFFFFE0, v61  }
0x71: {  	v3 =	vor.u32 v3, v4  }
0x72: {  	v4 =	vperm.xlane v3, v0;
	_ =	sdelay $0x1  }
0x73: {  	v4 =	vadd.s32 v1, v4;
	_ =	sdelay $0x1  }
0x74: {  	v3 =	vperm.xlane v3, v2;
	_ =	sdelay $0x1  }
0x75: {  	v3 =	vadd.s32 v1, v3  }
0x76: {  	[tilespmem:s18], [sflag:$0x2] =	stream.indirect_vreg.gather [hbm4b:s3+s2], $0x80, v4, vm0, $0xb8;
	[tilespmem:$0x10100] =	vst v63  }
0x77: {  	_ = 	snop  }
0x78: {  	[tilespmem:s19], [sflag:$0x2] =	stream.indirect_vreg.gather [hbm4b:s4+s2], $0x80, v4, vm0, $0xb8;
	[tilespmem:$0x10100] =	vst v63  }
0x79: {  	_ = 	snop  }
0x7a: {  	[tilespmem:s20], [sflag:$0x2] =	stream.indirect_vreg.gather [hbm4b:s3+s2], $0x80, v3, vm0, $0xb8;
	[tilespmem:$0x10100] =	vst v63  }
0x7b: {  	_ = 	snop  }
0x7c: {  	[tilespmem:s21], [sflag:$0x2] =	stream.indirect_vreg.gather [hbm4b:s4+s2], $0x80, v3, vm0, $0xb8;
	[tilespmem:$0x10100] =	vst v63  }
0x7d: {  	v3 =	vld [tilespmem:$0xA0];
	_ =	sdelay $0x4  }
0x7e: {  	v62 =	vshll.u32 v3, $0x2  }
0x7f: {  	v3 =	vand.u32 $0x7, v3;
	v4 =	vand.u32 $0xFFFFFFE0, v62  }
0x80: {  	v3 =	vor.u32 v3, v4  }
0x81: {  	v4 =	vperm.xlane v3, v0;
	_ =	sdelay $0x1  }
0x82: {  	v4 =	vadd.s32 v1, v4;
	_ =	sdelay $0x1  }
0x83: {  	v3 =	vperm.xlane v3, v2;
	_ =	sdelay $0x1  }
0x84: {  	v3 =	vadd.s32 v1, v3  }
0x85: {  	[tilespmem:s22], [sflag:$0x2] =	stream.indirect_vreg.gather [hbm4b:s3+s2], $0x80, v4, vm0, $0xb8;
	[tilespmem:$0x10100] =	vst v63  }
0x86: {  	_ = 	snop  }
0x87: {  	[tilespmem:s23], [sflag:$0x2] =	stream.indirect_vreg.gather [hbm4b:s4+s2], $0x80, v4, vm0, $0xb8;
	[tilespmem:$0x10100] =	vst v63  }
0x88: {  	_ = 	snop  }
0x89: {  	[tilespmem:s24], [sflag:$0x2] =	stream.indirect_vreg.gather [hbm4b:s3+s2], $0x80, v3, vm0, $0xb8;
	[tilespmem:$0x10100] =	vst v63  }
0x8a: {  	_ = 	snop  }
0x8b: {  	[tilespmem:s25], [sflag:$0x2] =	stream.indirect_vreg.gather [hbm4b:s4+s2], $0x80, v3, vm0, $0xb8;
	[tilespmem:$0x10100] =	vst v63  }
0x8c: {  	v3 =	vld [tilespmem:$0xB0];
	_ =	sdelay $0x4  }
0x8d: {  	v63 =	vshll.u32 v3, $0x2  }
0x8e: {  	v3 =	vand.u32 $0x7, v3;
	v4 =	vand.u32 $0xFFFFFFE0, v63  }
0x8f: {  	v3 =	vor.u32 v3, v4  }
0x90: {  	v4 =	vperm.xlane v3, v0;
	_ =	sdelay $0x1  }
0x91: {  	v4 =	vadd.s32 v1, v4;
	_ =	sdelay $0x1  }
0x92: {  	v3 =	vperm.xlane v3, v2;
	_ =	sdelay $0x1  }
0x93: {  	v3 =	vadd.s32 v1, v3  }
0x94: {  	[tilespmem:s26], [sflag:$0x2] =	stream.indirect_vreg.gather [hbm4b:s3+s2], $0x80, v4, vm0, $0xb8;
	[tilespmem:$0x10100] =	vst v63  }
0x95: {  	_ = 	snop  }
0x96: {  	[tilespmem:s28], [sflag:$0x2] =	stream.indirect_vreg.gather [hbm4b:s4+s2], $0x80, v4, vm0, $0xb8;
	[tilespmem:$0x10100] =	vst v63  }
0x97: {  	_ = 	snop  }
0x98: {  	[tilespmem:s29], [sflag:$0x2] =	stream.indirect_vreg.gather [hbm4b:s3+s2], $0x80, v3, vm0, $0xb8;
	[tilespmem:$0x10100] =	vst v63  }
0x99: {  	_ = 	snop  }
0x9a: {  	[tilespmem:s30], [sflag:$0x2] =	stream.indirect_vreg.gather [hbm4b:s4+s2], $0x80, v3, vm0, $0xb8;
	[tilespmem:$0x10100] =	vst v63  }
0x9b: {  	_ =	swait.ge [sflag:s31], $0x8000  }
0x9c: {  	[sflag:s31] =	ssyncset.done $0x0  }
0x9d: {  	s8 =	rddreg [dreg:$0x5];
	[sflag:s31] =	ssyncadd.s32 $0xFFFF8000  }
0x9e: {  	[hbm4b:s8+s2] =	stream.linear.scatter [tilespmem:s7], [sflag:$0x1], $0x8000, $0x38;
	[tilespmem:$0x10100] =	vst v63  }
0x9f: {  	_ =	swait.ge [sflag:s1], $0x8000  }
0xa0: {  	[sflag:s1] =	ssyncset.done $0x0  }
0xa1: {  	s8 =	rddreg [dreg:$0x6];
	[sflag:s1] =	ssyncadd.s32 $0xFFFF8000  }
0xa2: {  	[hbm4b:s8+s2] =	stream.linear.scatter [tilespmem:s14], [sflag:$0x2], $0x8000, $0x38;
	[tilespmem:$0x10100] =	vst v63  }
0xa3: {  	p0 =	sne.s32 s5, $0x1;
	_ =	swait.ge [sflag:s31], $0x8000  }
.Ltmp0:
0xa4: {  	[sflag:s31] =	ssyncset.done $0x0;
	(pc) =	sbr.rel @p0 .LBB2_1-.Ltmp0, $4  }
0xa5: {  	[sflag:s31] =	ssyncadd.s32 $0xFFFF8000  }
0xa6: {  	_ =	swait.ge [sflag:s1], $0x8000  }
0xa7: {  	[sflag:s1] =	ssyncset.done $0x0  }
0xa8: {  	s5 =	sadd.s32 $0xFFFFFFFF, s5;
	[sflag:s1] =	ssyncadd.s32 $0xFFFF8000  }
0xa9: {  	_ =	sfence.sel $0x180000  }
0xaa: {  	[bflag:$0x0] =	sbarrier.arrive $0xFFFF  }
0xab: {  	_ =	strace $0x9000004A  }
0xac: {  	s0 =	stileid.u32;
	[bflag:$0x2] =	sbarrier.arrive $0xFFFF  }
0xad: {  	p0 =	sne.s32 s0, $0x0;
	s0 =	rddreg [dreg:$0x2]  }
0xae: {  	s0 =	sadd.s32 @!p0 $0x100000, s0  }
0xaf: {  	[sflag:s0] =	ssyncadd.tile.s32 @!p0 $0x1;
	_ =	shalt  }
.Lfunc_end2:
_tile_overlayer_lowered:
.L_overlay_start_2:
0xb0: {  	(tag) =	ssettag $0x2  }
0xb1: {  	s0 =	rddreg [dreg:$0x0];
	s2 =	stileid.u32  }
0xb2: {  	s1 =	rddreg [dreg:$0x1];
	p0 =	sne.s32 s2, $0x0  }
0xb3: {  	s3 =	rddreg [dreg:$0x2];
	[bflag:$0x3] =	sbarrier.arrive $0xFFFF;
	s2 =	simm.s32 @!p0 $0x1C03  }
0xb4: {  	[timem:s3], [sflag:s2] =	dma.local @!p0 [hbm:s0], s1  }
0xb5: {  	s0 =	simm.s32 @!p0 $0x3  }
0xb6: {  	_ =	swait.ge @!p0 [sflag:s0], s1  }
0xb7: {  	s1 =	ssub.s32 @!p0 $0x0, s1;
	[sflag:s0] =	ssyncset.done @!p0 $0x0  }
0xb8: {  	[sflag:s0] =	ssyncadd.s32 @!p0 s1  }
0xb9: {  	[bflag:$0x3] =	sbarrier.arrive $0xFFFF  }
0xba: {  	_ =	shalt  }

// kernel: kernel.7.cloned.1.call-start
scs
__scs_entry_jumppad:
0x0: {  	(pc) =	sbr.rel $0x88, $3  }
0x1: {  	(tag) =	ssettag $0x0;
	lr =	simm.s32 $0x1  }
0x2: {  	[smem:$0x3F9C] =	sst lr;
	_ =	strace $0xD0000000  }
0x3: {  	_ = 	snop  }
0x4: {  	_ = 	snop  }
0x5: {  	_ = 	snop  }
0x6: {  	_ = 	snop  }
0x7: {  	_ = 	snop  }
__scs_overlays_trampoline_lowered:
0x8: {  	[smem:$0x3FAB] =	sst s0  }
0x9: {  	[smem:$0x3FAC] =	sst s1  }
0xa: {  	[smem:$0x3FAD] =	sst s2  }
0xb: {  	[smem:$0x3FAE] =	sst s3  }
0xc: {  	[smem:$0x3FAF] =	sst s4  }
0xd: {  	[smem:$0x3FB0] =	sst s5  }
0xe: {  	[smem:$0x3FB1] =	sst s6  }
0xf: {  	[smem:$0x3FB2] =	sst s7  }
0x10: {  	[smem:$0x3FB3] =	sst s8  }
0x11: {  	[smem:$0x3FB4] =	sst s9;
	s0 =	simm.s32 @!p0 $0x0  }
0x12: {  	s1 =	sld [smem:$0x3F9A];
	s0 =	simm.s32 @p0 $0x1  }
0x13: {  	[smem:$0x3FB5] =	sst s0;
	s0 =	simm.s32 @!p1 $0x0  }
0x14: {  	s2 =	sld [smem:$0x3F99];
	s0 =	simm.s32 @p1 $0x1  }
0x15: {  	[smem:$0x3FB6] =	sst s0;
	s0 =	simm.s32 @!p2 $0x0  }
0x16: {  	s3 =	sld [smem:$0x3FDB];
	s0 =	simm.s32 @p2 $0x1  }
0x17: {  	s4 =	simm.s32 $0x1BF5;
	[smem:$0x3FB8] =	sst s0  }
0x18: {  	s0 =	sld [smem:$0x3F9B];
	_ =	swait.ge [sflag:s4], $0x0  }
0x19: {  	s7 =	sld [smem:$0x3F9C]  }
0x1a: {  	s8 =	sadd.s32 $0xFFFFE003, lr  }
0x1b: {  	s9 =	sadd.s32 $0xFFFFFEF7, lr;
	s5 =	simm.s32 $0xFFFFFFFF;
	p2 =	slt.u32 s8, $0xFFFFF086  }
0x1c: {  	p1 =	slt.u32 s9, $0xF7A;
	s5 =	simm.s32 @!p2 $0x0  }
0x1d: {  	s5 =	simm.s32 @p1 $0x1;
	p0 =	seq.s32 s7, s2  }
0x1e: {  	s7 =	smul.u32 @!p0 $0xF7A, s2;
	p2 =	seq.s32 @!p0 s5, $0x0  }
0x1f: {  	s9 =	smul.u32 $0xF7A, s1;
	s8 =	simm.s32 @!p0 $0x1BF5;
	p2 =	por !p2, p0  }
0x20: {  	[sflag:s8] =	ssyncset.s32 @!p0 $0xFFFFF086;
	s6 =	sadd.s32 @!p0 s3, s7;
	s7 =	simm.s32 @!p0 $0x108  }
0x21: {  	s3 =	sadd.s32 s3, s9;
	s6 =	sadd.s32 @!p0 $0x88, s6;
	s7 =	simm.s32 @p2 $0x1082  }
0x22: {  	[simem:s7], [sflag:s8] =	dma.local @!p0 [hbm:s6], $0xF7A  }
0x23: {  	s9 =	sor.u32 $0xD0000000, s2;
	s6 =	simm.s32 $0x108;
	_ =	swait.ge @!p0 [sflag:s8], $0x0  }
0x24: {  	s3 =	sadd.s32 $0x88, s3;
	s6 =	simm.s32 @!p1 $0x1082;
	[sflag:s4] =	ssyncset.s32 $0xFFFFF086  }
0x25: {  	[simem:s6], [sflag:s4] =	dma.local [hbm:s3], $0xF7A  }
0x26: {  	[smem:$0x3F9C] =	sst s1;
	(tag) =	ssettag s2;
	_ =	strace s9  }
0x27: {  	s1 =	sld [smem:$0x3FAC]  }
0x28: {  	s2 =	sld [smem:$0x3FAD]  }
0x29: {  	s4 =	sld [smem:$0x3FAF]  }
0x2a: {  	p0 =	seq.s32 s5, $0x0;
	s5 =	sld [smem:$0x3FB0]  }
0x2b: {  	s6 =	sld [smem:$0x3FB1]  }
0x2c: {  	s7 =	sld [smem:$0x3FB2]  }
0x2d: {  	s3 =	simm.s32 $0x108;
	s8 =	sld [smem:$0x3FB3]  }
0x2e: {  	s3 =	simm.s32 @!p0 $0x1082;
	s9 =	sld [smem:$0x3FB4]  }
0x2f: {  	lr =	sadd.s32 s0, s3;
	s0 =	sld [smem:$0x3FAB]  }
0x30: {  	s3 =	sld [smem:$0x3FAE]  }
0x31: {  	[smem:$0x3FB7] =	sst s10  }
0x32: {  	s10 =	sld [smem:$0x3FB5];
	_ =	sdelay $0x3  }
0x33: {  	p0 =	seq.s32 s10, $0x1;
	s10 =	sld [smem:$0x3FB7];
	_ =	sdelay $0x3  }
0x34: {  	[smem:$0x3FB7] =	sst s10  }
0x35: {  	s10 =	sld [smem:$0x3FB6];
	_ =	sdelay $0x3  }
0x36: {  	p1 =	seq.s32 s10, $0x1;
	s10 =	sld [smem:$0x3FB7];
	_ =	sdelay $0x3  }
0x37: {  	[smem:$0x3FB7] =	sst s10  }
0x38: {  	s10 =	sld [smem:$0x3FB8]  }
0x39: {  	_ = 	snop;
	(pc) =	sbr.ind lr, $3  }
0x3a: {  	_ = 	snop  }
0x3b: {  	_ = 	snop  }
0x3c: {  	p2 =	seq.s32 s10, $0x1;
	s10 =	sld [smem:$0x3FB7]  }
0x3d: {  	_ =	shalt  }
0x3e: {  	_ =	shalt  }
0x3f: {  	_ =	shalt  }
0x40: {  	_ =	shalt  }
0x41: {  	_ =	shalt  }
0x42: {  	_ =	shalt  }
0x43: {  	_ =	shalt  }
0x44: {  	_ =	shalt  }
0x45: {  	_ =	shalt  }
0x46: {  	_ =	shalt  }
0x47: {  	_ =	shalt  }
0x48: {  	_ =	shalt  }
0x49: {  	_ =	shalt  }
0x4a: {  	_ =	shalt  }
0x4b: {  	_ =	shalt  }
0x4c: {  	_ =	shalt  }
0x4d: {  	_ =	shalt  }
0x4e: {  	_ =	shalt  }
0x4f: {  	_ =	shalt  }
0x50: {  	_ =	shalt  }
0x51: {  	_ =	shalt  }
0x52: {  	_ =	shalt  }
0x53: {  	_ =	shalt  }
0x54: {  	_ =	shalt  }
0x55: {  	_ =	shalt  }
0x56: {  	_ =	shalt  }
0x57: {  	_ =	shalt  }
0x58: {  	_ =	shalt  }
0x59: {  	_ =	shalt  }
0x5a: {  	_ =	shalt  }
0x5b: {  	_ =	shalt  }
0x5c: {  	_ =	shalt  }
0x5d: {  	_ =	shalt  }
0x5e: {  	_ =	shalt  }
0x5f: {  	_ =	shalt  }
0x60: {  	_ =	shalt  }
0x61: {  	_ =	shalt  }
0x62: {  	_ =	shalt  }
0x63: {  	_ =	shalt  }
0x64: {  	_ =	shalt  }
0x65: {  	_ =	shalt  }
0x66: {  	_ =	shalt  }
0x67: {  	_ =	shalt  }
0x68: {  	_ =	shalt  }
0x69: {  	_ =	shalt  }
0x6a: {  	_ =	shalt  }
0x6b: {  	_ =	shalt  }
0x6c: {  	_ =	shalt  }
0x6d: {  	_ =	shalt  }
0x6e: {  	_ =	shalt  }
0x6f: {  	_ =	shalt  }
0x70: {  	_ =	shalt  }
0x71: {  	_ =	shalt  }
0x72: {  	_ =	shalt  }
0x73: {  	_ =	shalt  }
0x74: {  	_ =	shalt  }
0x75: {  	_ =	shalt  }
0x76: {  	_ =	shalt  }
0x77: {  	_ =	shalt  }
0x78: {  	_ =	shalt  }
0x79: {  	_ =	shalt  }
0x7a: {  	_ =	shalt  }
0x7b: {  	_ =	shalt  }
0x7c: {  	_ =	shalt  }
0x7d: {  	_ =	shalt  }
0x7e: {  	_ =	shalt  }
0x7f: {  	_ =	shalt  }
0x80: {  	_ =	shalt  }
0x81: {  	_ =	shalt  }
0x82: {  	_ =	shalt  }
0x83: {  	_ =	shalt  }
0x84: {  	_ =	shalt  }
0x85: {  	_ =	shalt  }
0x86: {  	_ =	shalt  }
0x87: {  	_ =	shalt  }
.Lfunc_end0:
.L_simem_size_0:
called_computation_lowered:
.L_overlay_start_0:
0x88: {  	s2 =	sld [smem:$0x3FD9]  }
0x89: {  	s3 =	sld [smem:$0x3FFE];
	_ =	sdelay $0x1  }
0x8a: {  	s1 =	srdreg.scid  }
0x8b: {  	s0 =	sand.u32 $0x1, s1  }
0x8c: {  	s16 =	sshll.u32 s0, $0xA;
	s2 =	sadd.s32 s3, s2  }
0x8d: {  	s2 =	sadd.s32 s2, s16  }
0x8e: {  	[smem:$0x3FC3] =	sst s2  }
0x8f: {  	_ = 	snop  }
0x90: {  	(tm) =	ssettm $0x1  }
0x91: {  	s17 =	sld [smem:$0x3FFB];
	_ =	sdelay $0x3  }
0x92: {  	_ =	strace s17  }
0x93: {  	s2 =	sld [smem:$0x3FFC];
	_ =	sdelay $0x3  }
0x94: {  	_ =	strace s2  }
0x95: {  	s2 =	sld [smem:$0x3FFD];
	_ =	sdelay $0x3  }
0x96: {  	_ =	strace s2  }
0x97: {  	_ =	strace $0x8FFFFFFF  }
0x98: {  	s18 =	sld [smem:$0x3FDB];
	_ =	sdelay $0x1  }
0x99: {  	s19 =	simm.s32 $_scs_section_size  }
0x9a: {  	s4 =	simm.s32 $_size__tile_overlayer_lowered;
	s5 =	simm.s32 $_tile_overlayer_lowered  }
0x9b: {  	s22 =	simm.s32 $0x1BFF;
	s21 =	sshll.u32 s5, $0x1;
	s2 =	sadd.s32 s19, s18  }
0x9c: {  	s6 =	simm.s32 $0x0;
	s20 =	sshll.u32 s4, $0x1;
	s4 =	sadd.s32 s21, s2  }
0x9d: {  	[timem:s6], [sflag:s22] =	dma.local [hbm:s4], s20  }
0x9e: {  	_ =	swait.ge [sflag:s22], s20  }
0x9f: {  	s3 =	ssub.s32 $0x0, s20;
	[sflag:s22] =	ssyncset.done $0x0  }
0xa0: {  	[sflag:s22] =	ssyncadd.s32 s3;
	_ =	sdelay $0x1  }
0xa1: {  	s23 =	simm.s32 $0x1B8B  }
0xa2: {  	_ =	swait.ge [sflag:s23], $0x1  }
0xa3: {  	[sflag:s23] =	ssyncset.done $0x0  }
0xa4: {  	s25 =	simm.s32 $0x1B8E;
	s24 =	sld [smem:$0x3FFE];
	[sflag:s23] =	ssyncadd.s32 $0xFFFFFFFF  }
0xa5: {  	s26 =	simm.s32 $execute0_lowered;
	[smem:$0x3FD2] =	sst s25  }
0xa6: {  	s4 =	sshll.u32 s26, $0x1;
	_ =	strace $0x80000046;
	[dreg:$0x1] =	wrdreg $0xFFFFFFFF  }
0xa7: {  	s28 =	simm.s32 $_size_execute0_lowered;
	s2 =	sadd.s32 s2, s4;
	[dreg:$0x0] =	wrdreg $0x0  }
0xa8: {  	s4 =	sshll.u32 s28, $0x1;
	[dreg:$0x2] =	wrdreg s2  }
0xa9: {  	[dreg:$0x3] =	wrdreg s4  }
0xaa: {  	[dreg:$0x4] =	wrdreg $0xC0  }
0xab: {  	_ =	task [dreg:s6], $0x5FFFF  }
0xac: {  	[dreg:$0x1] =	wrdreg $0xFFFFFFFF  }
0xad: {  	[dreg:$0x0] =	wrdreg $0x60  }
0xae: {  	[dreg:$0x2] =	wrdreg s24  }
0xaf: {  	[dreg:$0x3] =	wrdreg $0x9  }
0xb0: {  	_ =	task.clear_ibuf [dreg:s6], $0x4FFFF;
	_ =	strace $0x90000046  }
0xb1: {  	s29 =	simm.s32 $0x9;
	_ =	strace $0x80000048  }
0xb2: {  	_ =	swait.ge [sflag:s29], $0x1  }
0xb3: {  	[sflag:s29] =	ssyncadd.s32 $0xFFFFFFFF  }
0xb4: {  	_ =	strace $0x90000048  }
0xb5: {  	_ =	sfence  }
0xb6: {  	s30 =	sld [smem:$0x0];
	_ =	sdelay $0x2  }
0xb7: {  	s31 =	sshll.u32 s1, $0xD;
	s1 =	sshrl.u32 s1, $0x2  }
0xb8: {  	s3 =	sand.u32 $0x4000, s31;
	s1 =	sadd.s32 s1, s30  }
0xb9: {  	s0 =	sor.u32 s3, s0;
	s1 =	sshll.u32 s1, $0x11  }
0xba: {  	s0 =	sor.u32 s1, s0  }
0xbb: {  	s0 =	sadd.s32 $0x8F2B, s0  }
0xbc: {  	[sflag:s0] =	ssyncadd.remote.s32 $0x1  }
0xbd: {  	_ =	sfence.sel $0xFFFF  }
0xbe: {  	[dreg:$0x0] =	wrdreg $0xFFFFFFFF;
	(pc) =	sbr.abs _section_cstart, $3  }
0xbf: {  	[dreg:$0x1] =	wrdreg $0xFFFFFFFF  }
0xc0: {  	_ =	task.clear_ibuf [dreg:s6], $0x2FFFF;
	_ =	strace $0x9FFFFFFF  }
0xc1: {  	(tm) =	ssettm $0x7FFFFFFF  }
tec
execute0_lowered:
.L_overlay_start_1:
0x0: {  	(tag) =	ssettag $0x1  }
0x1: {  	s7 =	rddreg [dreg:$0x0]  }
0x2: {  	s0 =	rddreg [dreg:$0x1];
	s2 =	simm.s32 $0x0;
	s3 =	srdreg.scid  }
0x3: {  	s1 =	stileid.u32;
	s10 =	simm.s32 $0x80;
	s11 =	simm.s32 $0x100  }
0x4: {  	s12 =	simm.s32 $0x900;
	s13 =	simm.s32 $0x1100;
	s14 =	simm.s32 $0x1900  }
0x5: {  	s15 =	simm.s32 $0x2100;
	s16 =	simm.s32 $0x2900;
	s17 =	simm.s32 $0x3100  }
0x6: {  	s18 =	simm.s32 $0x3900;
	s19 =	simm.s32 $0x4100;
	s20 =	simm.s32 $0x4900  }
0x7: {  	s21 =	simm.s32 $0x5100;
	s22 =	simm.s32 $0x5900;
	s23 =	simm.s32 $0x6100  }
0x8: {  	s24 =	simm.s32 $0x6900;
	s25 =	simm.s32 $0x7100;
	s26 =	simm.s32 $0x7900  }
0x9: {  	s28 =	simm.s32 $0x1;
	s29 =	simm.s32 $0x2;
	[smem:$0x7FF] =	sst s2  }
0xa: {  	s3 =	sand.u32 $0x1, s3;
	s4 =	sshll.u32 s1, $0x1;
	_ =	strace $0x80000047  }
0xb: {  	s4 =	sor.u32 s3, s4;
	s6 =	ssub.s32 $0x2, s3;
	s3 =	sadd.s32 $0x21800, s7  }
0xc: {  	s5 =	sshll.u32 s4, $0xC;
	s4 =	sshll.u32 s4, $0x4;
	s31 =	sshrl.u32 s6, $0x1  }
0xd: {  	v2 =	vlaneseq.u32;
	s8 =	sadd.s32 s5, s7;
	s30 =	sadd.s32 s4, s7;
	s9 =	ssub.s32 s6, s31  }
0xe: {  	vm0 =	vmmov $0xffff;
	v1 =	vshrl.u32 v2, $0x3;
	s7 =	sadd.s32 $0x21900, s7;
	s4 =	sadd.s32 $0x21600, s30;
	s5 =	sadd.s32 $0x21400, s30  }
0xf: {  	v0 =	vand.u32 $0x7, v2;
	v2 =	vor.u32 $0x8, v2;
	v1 =	vmul.u32 $0x8, v1;
	s6 =	sadd.s32 $0x1400, s8;
	s8 =	smax.u32 s9, $0x1;
	s9 =	simm.s32 $0x3  }
.LBB2_1:
0x10: {  	[tilespmem:s2], [sflag:$0x3] =	stream.linear.gather [hbm4b:s4+s2], $0x80, $0x38;
	[tilespmem:$0x8100] =	vst v63  }
0x11: {  	_ =	swait.ge [sflag:s9], $0x80  }
0x12: {  	[sflag:s9] =	ssyncset.done $0x0  }
0x13: {  	[sflag:s9] =	ssyncadd.s32 $0xFFFFFF80  }
0x14: {  	[tilespmem:s10], [sflag:$0x3] =	stream.linear.gather [hbm4b:s5+s2], $0x80, $0x38;
	[tilespmem:$0x8100] =	vst v63  }
0x15: {  	_ =	swait.ge [sflag:s9], $0x80  }
0x16: {  	[sflag:s9] =	ssyncset.done $0x0  }
0x17: {  	[sflag:s9] =	ssyncadd.s32 $0xFFFFFF80  }
0x18: {  	[tilespmem:s11], [sflag:$0x3] =	stream.linear.gather [hbm4b:s6+s2], $0x8000, $0x38;
	[tilespmem:$0x8100] =	vst v63  }
0x19: {  	_ =	swait.ge [sflag:s9], $0x8000  }
0x1a: {  	[sflag:s9] =	ssyncset.done $0x0  }
0x1b: {  	[sflag:s9] =	ssyncadd.s32 $0xFFFF8000  }
0x1c: {  	v3 =	vld [tilespmem:$0x0];
	_ =	sdelay $0x4  }
0x1d: {  	v4 =	vshll.u32 v3, $0x2  }
0x1e: {  	v3 =	vand.u32 $0x7, v3;
	v4 =	vand.u32 $0xFFFFFFE0, v4  }
0x1f: {  	v3 =	vor.u32 v3, v4  }
0x20: {  	v4 =	vperm.xlane v3, v0;
	_ =	sdelay $0x1  }
0x21: {  	v4 =	vadd.s32 v1, v4;
	_ =	sdelay $0x1  }
0x22: {  	v3 =	vperm.xlane v3, v2;
	_ =	sdelay $0x1  }
0x23: {  	v3 =	vadd.s32 v1, v3  }
0x24: {  	[hbm4b:s3+s2] =	stream.indirect_vreg.scatter [tilespmem:s11], [sflag:$0x1], $0x80, v4, vm0, $0xb8;
	[tilespmem:$0x8100] =	vst v63  }
0x25: {  	_ = 	snop  }
0x26: {  	[hbm4b:s7+s2] =	stream.indirect_vreg.scatter [tilespmem:s12], [sflag:$0x1], $0x80, v4, vm0, $0xb8;
	[tilespmem:$0x8100] =	vst v63  }
0x27: {  	_ = 	snop  }
0x28: {  	[hbm4b:s3+s2] =	stream.indirect_vreg.scatter [tilespmem:s13], [sflag:$0x1], $0x80, v3, vm0, $0xb8;
	[tilespmem:$0x8100] =	vst v63  }
0x29: {  	_ = 	snop  }
0x2a: {  	[hbm4b:s7+s2] =	stream.indirect_vreg.scatter [tilespmem:s14], [sflag:$0x1], $0x80, v3, vm0, $0xb8;
	[tilespmem:$0x8100] =	vst v63  }
0x2b: {  	v3 =	vld [tilespmem:$0x10];
	_ =	sdelay $0x4  }
0x2c: {  	v57 =	vshll.u32 v3, $0x2  }
0x2d: {  	v3 =	vand.u32 $0x7, v3;
	v4 =	vand.u32 $0xFFFFFFE0, v57  }
0x2e: {  	v3 =	vor.u32 v3, v4  }
0x2f: {  	v4 =	vperm.xlane v3, v0;
	_ =	sdelay $0x1  }
0x30: {  	v4 =	vadd.s32 v1, v4;
	_ =	sdelay $0x1  }
0x31: {  	v3 =	vperm.xlane v3, v2;
	_ =	sdelay $0x1  }
0x32: {  	v3 =	vadd.s32 v1, v3  }
0x33: {  	[hbm4b:s3+s2] =	stream.indirect_vreg.scatter [tilespmem:s15], [sflag:$0x1], $0x80, v4, vm0, $0xb8;
	[tilespmem:$0x8100] =	vst v63  }
0x34: {  	_ = 	snop  }
0x35: {  	[hbm4b:s7+s2] =	stream.indirect_vreg.scatter [tilespmem:s16], [sflag:$0x1], $0x80, v4, vm0, $0xb8;
	[tilespmem:$0x8100] =	vst v63  }
0x36: {  	_ = 	snop  }
0x37: {  	[hbm4b:s3+s2] =	stream.indirect_vreg.scatter [tilespmem:s17], [sflag:$0x1], $0x80, v3, vm0, $0xb8;
	[tilespmem:$0x8100] =	vst v63  }
0x38: {  	_ = 	snop  }
0x39: {  	[hbm4b:s7+s2] =	stream.indirect_vreg.scatter [tilespmem:s18], [sflag:$0x1], $0x80, v3, vm0, $0xb8;
	[tilespmem:$0x8100] =	vst v63  }
0x3a: {  	v3 =	vld [tilespmem:$0x20];
	_ =	sdelay $0x4  }
0x3b: {  	v58 =	vshll.u32 v3, $0x2  }
0x3c: {  	v3 =	vand.u32 $0x7, v3;
	v4 =	vand.u32 $0xFFFFFFE0, v58  }
0x3d: {  	v3 =	vor.u32 v3, v4  }
0x3e: {  	v4 =	vperm.xlane v3, v0;
	_ =	sdelay $0x1  }
0x3f: {  	v4 =	vadd.s32 v1, v4;
	_ =	sdelay $0x1  }
0x40: {  	v3 =	vperm.xlane v3, v2;
	_ =	sdelay $0x1  }
0x41: {  	v3 =	vadd.s32 v1, v3  }
0x42: {  	[hbm4b:s3+s2] =	stream.indirect_vreg.scatter [tilespmem:s19], [sflag:$0x1], $0x80, v4, vm0, $0xb8;
	[tilespmem:$0x8100] =	vst v63  }
0x43: {  	_ = 	snop  }
0x44: {  	[hbm4b:s7+s2] =	stream.indirect_vreg.scatter [tilespmem:s20], [sflag:$0x1], $0x80, v4, vm0, $0xb8;
	[tilespmem:$0x8100] =	vst v63  }
0x45: {  	_ = 	snop  }
0x46: {  	[hbm4b:s3+s2] =	stream.indirect_vreg.scatter [tilespmem:s21], [sflag:$0x1], $0x80, v3, vm0, $0xb8;
	[tilespmem:$0x8100] =	vst v63  }
0x47: {  	_ = 	snop  }
0x48: {  	[hbm4b:s7+s2] =	stream.indirect_vreg.scatter [tilespmem:s22], [sflag:$0x1], $0x80, v3, vm0, $0xb8;
	[tilespmem:$0x8100] =	vst v63  }
0x49: {  	v3 =	vld [tilespmem:$0x30];
	_ =	sdelay $0x4  }
0x4a: {  	v59 =	vshll.u32 v3, $0x2  }
0x4b: {  	v3 =	vand.u32 $0x7, v3;
	v4 =	vand.u32 $0xFFFFFFE0, v59  }
0x4c: {  	v3 =	vor.u32 v3, v4  }
0x4d: {  	v4 =	vperm.xlane v3, v0;
	_ =	sdelay $0x1  }
0x4e: {  	v4 =	vadd.s32 v1, v4;
	_ =	sdelay $0x1  }
0x4f: {  	v3 =	vperm.xlane v3, v2;
	_ =	sdelay $0x1  }
0x50: {  	v3 =	vadd.s32 v1, v3  }
0x51: {  	[hbm4b:s3+s2] =	stream.indirect_vreg.scatter [tilespmem:s23], [sflag:$0x1], $0x80, v4, vm0, $0xb8;
	[tilespmem:$0x8100] =	vst v63  }
0x52: {  	_ = 	snop  }
0x53: {  	[hbm4b:s7+s2] =	stream.indirect_vreg.scatter [tilespmem:s24], [sflag:$0x1], $0x80, v4, vm0, $0xb8;
	[tilespmem:$0x8100] =	vst v63  }
0x54: {  	_ = 	snop  }
0x55: {  	[hbm4b:s3+s2] =	stream.indirect_vreg.scatter [tilespmem:s25], [sflag:$0x1], $0x80, v3, vm0, $0xb8;
	[tilespmem:$0x8100] =	vst v63  }
0x56: {  	_ = 	snop  }
0x57: {  	[hbm4b:s7+s2] =	stream.indirect_vreg.scatter [tilespmem:s26], [sflag:$0x1], $0x80, v3, vm0, $0xb8;
	[tilespmem:$0x8100] =	vst v63  }
0x58: {  	v3 =	vld [tilespmem:$0x80];
	_ =	sdelay $0x4  }
0x59: {  	v60 =	vshll.u32 v3, $0x2  }
0x5a: {  	v3 =	vand.u32 $0x7, v3;
	v4 =	vand.u32 $0xFFFFFFE0, v60  }
0x5b: {  	v3 =	vor.u32 v3, v4  }
0x5c: {  	v4 =	vperm.xlane v3, v0;
	_ =	sdelay $0x1  }
0x5d: {  	v4 =	vadd.s32 v1, v4;
	_ =	sdelay $0x1  }
0x5e: {  	v3 =	vperm.xlane v3, v2;
	_ =	sdelay $0x1  }
0x5f: {  	v3 =	vadd.s32 v1, v3  }
0x60: {  	[hbm4b:s3+s2] =	stream.indirect_vreg.scatter [tilespmem:s11], [sflag:$0x2], $0x80, v4, vm0, $0xb8;
	[tilespmem:$0x8100] =	vst v63  }
0x61: {  	_ = 	snop  }
0x62: {  	[hbm4b:s7+s2] =	stream.indirect_vreg.scatter [tilespmem:s12], [sflag:$0x2], $0x80, v4, vm0, $0xb8;
	[tilespmem:$0x8100] =	vst v63  }
0x63: {  	_ = 	snop  }
0x64: {  	[hbm4b:s3+s2] =	stream.indirect_vreg.scatter [tilespmem:s13], [sflag:$0x2], $0x80, v3, vm0, $0xb8;
	[tilespmem:$0x8100] =	vst v63  }
0x65: {  	_ = 	snop  }
0x66: {  	[hbm4b:s7+s2] =	stream.indirect_vreg.scatter [tilespmem:s14], [sflag:$0x2], $0x80, v3, vm0, $0xb8;
	[tilespmem:$0x8100] =	vst v63  }
0x67: {  	v3 =	vld [tilespmem:$0x90];
	_ =	sdelay $0x4  }
0x68: {  	v61 =	vshll.u32 v3, $0x2  }
0x69: {  	v3 =	vand.u32 $0x7, v3;
	v4 =	vand.u32 $0xFFFFFFE0, v61  }
0x6a: {  	v3 =	vor.u32 v3, v4  }
0x6b: {  	v4 =	vperm.xlane v3, v0;
	_ =	sdelay $0x1  }
0x6c: {  	v4 =	vadd.s32 v1, v4;
	_ =	sdelay $0x1  }
0x6d: {  	v3 =	vperm.xlane v3, v2;
	_ =	sdelay $0x1  }
0x6e: {  	v3 =	vadd.s32 v1, v3  }
0x6f: {  	[hbm4b:s3+s2] =	stream.indirect_vreg.scatter [tilespmem:s15], [sflag:$0x2], $0x80, v4, vm0, $0xb8;
	[tilespmem:$0x8100] =	vst v63  }
0x70: {  	_ = 	snop  }
0x71: {  	[hbm4b:s7+s2] =	stream.indirect_vreg.scatter [tilespmem:s16], [sflag:$0x2], $0x80, v4, vm0, $0xb8;
	[tilespmem:$0x8100] =	vst v63  }
0x72: {  	_ = 	snop  }
0x73: {  	[hbm4b:s3+s2] =	stream.indirect_vreg.scatter [tilespmem:s17], [sflag:$0x2], $0x80, v3, vm0, $0xb8;
	[tilespmem:$0x8100] =	vst v63  }
0x74: {  	_ = 	snop  }
0x75: {  	[hbm4b:s7+s2] =	stream.indirect_vreg.scatter [tilespmem:s18], [sflag:$0x2], $0x80, v3, vm0, $0xb8;
	[tilespmem:$0x8100] =	vst v63  }
0x76: {  	v3 =	vld [tilespmem:$0xA0];
	_ =	sdelay $0x4  }
0x77: {  	v62 =	vshll.u32 v3, $0x2  }
0x78: {  	v3 =	vand.u32 $0x7, v3;
	v4 =	vand.u32 $0xFFFFFFE0, v62  }
0x79: {  	v3 =	vor.u32 v3, v4  }
0x7a: {  	v4 =	vperm.xlane v3, v0;
	_ =	sdelay $0x1  }
0x7b: {  	v4 =	vadd.s32 v1, v4;
	_ =	sdelay $0x1  }
0x7c: {  	v3 =	vperm.xlane v3, v2;
	_ =	sdelay $0x1  }
0x7d: {  	v3 =	vadd.s32 v1, v3  }
0x7e: {  	[hbm4b:s3+s2] =	stream.indirect_vreg.scatter [tilespmem:s19], [sflag:$0x2], $0x80, v4, vm0, $0xb8;
	[tilespmem:$0x8100] =	vst v63  }
0x7f: {  	_ = 	snop  }
0x80: {  	[hbm4b:s7+s2] =	stream.indirect_vreg.scatter [tilespmem:s20], [sflag:$0x2], $0x80, v4, vm0, $0xb8;
	[tilespmem:$0x8100] =	vst v63  }
0x81: {  	_ = 	snop  }
0x82: {  	[hbm4b:s3+s2] =	stream.indirect_vreg.scatter [tilespmem:s21], [sflag:$0x2], $0x80, v3, vm0, $0xb8;
	[tilespmem:$0x8100] =	vst v63  }
0x83: {  	_ = 	snop  }
0x84: {  	[hbm4b:s7+s2] =	stream.indirect_vreg.scatter [tilespmem:s22], [sflag:$0x2], $0x80, v3, vm0, $0xb8;
	[tilespmem:$0x8100] =	vst v63  }
0x85: {  	v3 =	vld [tilespmem:$0xB0];
	_ =	sdelay $0x4  }
0x86: {  	v63 =	vshll.u32 v3, $0x2  }
0x87: {  	v3 =	vand.u32 $0x7, v3;
	v4 =	vand.u32 $0xFFFFFFE0, v63  }
0x88: {  	v3 =	vor.u32 v3, v4  }
0x89: {  	v4 =	vperm.xlane v3, v0;
	_ =	sdelay $0x1  }
0x8a: {  	v4 =	vadd.s32 v1, v4;
	_ =	sdelay $0x1  }
0x8b: {  	v3 =	vperm.xlane v3, v2;
	_ =	sdelay $0x1  }
0x8c: {  	v3 =	vadd.s32 v1, v3  }
0x8d: {  	[hbm4b:s3+s2] =	stream.indirect_vreg.scatter [tilespmem:s23], [sflag:$0x2], $0x80, v4, vm0, $0xb8;
	[tilespmem:$0x8100] =	vst v63  }
0x8e: {  	_ = 	snop  }
0x8f: {  	[hbm4b:s7+s2] =	stream.indirect_vreg.scatter [tilespmem:s24], [sflag:$0x2], $0x80, v4, vm0, $0xb8;
	[tilespmem:$0x8100] =	vst v63  }
0x90: {  	_ = 	snop  }
0x91: {  	[hbm4b:s3+s2] =	stream.indirect_vreg.scatter [tilespmem:s25], [sflag:$0x2], $0x80, v3, vm0, $0xb8;
	[tilespmem:$0x8100] =	vst v63  }
0x92: {  	_ = 	snop  }
0x93: {  	[hbm4b:s7+s2] =	stream.indirect_vreg.scatter [tilespmem:s26], [sflag:$0x2], $0x80, v3, vm0, $0xb8;
	[tilespmem:$0x8100] =	vst v63  }
0x94: {  	p0 =	sne.s32 s8, $0x1;
	_ =	swait.ge [sflag:s28], $0x8000  }
.Ltmp0:
0x95: {  	[sflag:s28] =	ssyncset.done $0x0;
	(pc) =	sbr.rel @p0 .LBB2_1-.Ltmp0, $4  }
0x96: {  	[sflag:s28] =	ssyncadd.s32 $0xFFFF8000  }
0x97: {  	_ =	swait.ge [sflag:s29], $0x8000  }
0x98: {  	[sflag:s29] =	ssyncset.done $0x0  }
0x99: {  	s8 =	sadd.s32 $0xFFFFFFFF, s8;
	[sflag:s29] =	ssyncadd.s32 $0xFFFF8000  }
0x9a: {  	_ =	sfence.sel $0x180000  }
0x9b: {  	[bflag:$0x0] =	sbarrier.arrive $0xFFFF  }
0x9c: {  	p0 =	sne.s32 s1, $0x0;
	_ =	strace $0x90000047  }
0x9d: {  	s0 =	sadd.s32 @!p0 $0x100000, s0;
	[bflag:$0x2] =	sbarrier.arrive $0xFFFF  }
0x9e: {  	[sflag:s0] =	ssyncadd.tile.s32 @!p0 $0x1;
	_ =	shalt  }
.Lfunc_end2:
_tile_overlayer_lowered:
.L_overlay_start_2:
0x9f: {  	(tag) =	ssettag $0x2  }
0xa0: {  	s0 =	rddreg [dreg:$0x0];
	s2 =	stileid.u32  }
0xa1: {  	s1 =	rddreg [dreg:$0x1];
	p0 =	sne.s32 s2, $0x0  }
0xa2: {  	s3 =	rddreg [dreg:$0x2];
	[bflag:$0x3] =	sbarrier.arrive $0xFFFF;
	s2 =	simm.s32 @!p0 $0x1C03  }
0xa3: {  	[timem:s3], [sflag:s2] =	dma.local @!p0 [hbm:s0], s1  }
0xa4: {  	s0 =	simm.s32 @!p0 $0x3  }
0xa5: {  	_ =	swait.ge @!p0 [sflag:s0], s1  }
0xa6: {  	s1 =	ssub.s32 @!p0 $0x0, s1;
	[sflag:s0] =	ssyncset.done @!p0 $0x0  }
0xa7: {  	[sflag:s0] =	ssyncadd.s32 @!p0 s1  }
0xa8: {  	[bflag:$0x3] =	sbarrier.arrive $0xFFFF  }
0xa9: {  	_ =	shalt  }

</sc_bundles>
